<compile_context>
chip_gen: v7x
topology: tpu7x:2x2x1
jax: 0.10.2.dev20260603
libtpu: 0.0.44.dev20260713+nightly
codegen_flags: <defaults>
</compile_context>

<pallas_src>
import functools

import jax
import jax.numpy as jnp
from jax import lax
from jax.experimental import pallas as pl
from jax.experimental.pallas import tpu as pltpu
from jax.experimental.pallas import tpu_sc as plsc

N = 10000
E = 320000
IN_DIM = 128
HID = 64
NC = 2
NS = 16
NW = NC * NS
K = 128
NBUF = 2
BPW = 80
EPW = BPW * K
E_PAD = NW * EPW
BPA = 80
BPB = 80
BCH = 40
CFAST = 1
NP = 10240
RPT = NP // NS

_MESH = plsc.VectorSubcoreMesh(core_axis_name="c", subcore_axis_name="s")



@functools.partial(
    pl.kernel,
    mesh=_MESH,
    out_type=jax.ShapeDtypeStruct((NC * NP,), jnp.float32),
    scratch_types=[
        pltpu.VMEM((BPW, K), jnp.int32),
        pltpu.VMEM((K,), jnp.float32),
        pltpu.VMEM_SHARED((NP,), jnp.float32),
    ],
)
def _sc_hist(dst_hbm, ones_hbm, zer_hbm, out_hbm, dst_vm, ones_vm, hist_sh):
    c = lax.axis_index("c")
    s = lax.axis_index("s")
    wid = c * NS + s
    pltpu.sync_copy(dst_hbm.at[wid], dst_vm)
    pltpu.sync_copy(ones_hbm, ones_vm)
    pltpu.sync_copy(zer_hbm, hist_sh.at[pl.ds(s * RPT, RPT)])
    plsc.subcore_barrier()

    def body(j, carry):
        pltpu.sync_copy(ones_vm, hist_sh.at[dst_vm.at[j]], add=True)
        return carry

    lax.fori_loop(0, BPW, body, 0)
    plsc.subcore_barrier()
    pltpu.sync_copy(hist_sh.at[pl.ds(s * RPT, RPT)],
                    out_hbm.at[pl.ds(c * NP + s * RPT, RPT)])


@functools.partial(
    pl.kernel,
    mesh=_MESH,
    out_type=jax.ShapeDtypeStruct((NC * NP, 2 * HID), jnp.float32),
    scratch_types=[
        pltpu.VMEM((BPW, K), jnp.int32),
        pltpu.VMEM((BPW, K), jnp.int32),
        pltpu.VMEM((K, 2 * HID), jnp.float32),
        pltpu.VMEM_SHARED((NP, 2 * HID), jnp.float32),
    ],
)
def _sc_edge1(y_hbm, src_hbm, dst_hbm, zer_hbm, out_hbm,
              src_vm, dst_vm, buf, acc_sh):
    c = lax.axis_index("c")
    s = lax.axis_index("s")
    wid = c * NS + s
    pltpu.sync_copy(zer_hbm, acc_sh.at[pl.ds(s * RPT, RPT)])
    pltpu.sync_copy(src_hbm.at[wid], src_vm)
    pltpu.sync_copy(dst_hbm.at[wid], dst_vm)
    plsc.subcore_barrier()

    def body(j, carry):
        pltpu.sync_copy(y_hbm.at[src_vm.at[j]], buf)
        pltpu.sync_copy(buf, acc_sh.at[dst_vm.at[j]], add=True)
        return carry

    lax.fori_loop(0, BPW, body, 0)
    plsc.subcore_barrier()
    pltpu.sync_copy(acc_sh.at[pl.ds(s * RPT, RPT)],
                    out_hbm.at[pl.ds(c * NP + s * RPT, RPT)])


@functools.partial(
    pl.kernel,
    mesh=_MESH,
    out_type=jax.ShapeDtypeStruct((NC * NP,), jnp.float32),
    scratch_types=[
        pltpu.VMEM((BPW, K), jnp.int32),
        pltpu.VMEM((BPW, K), jnp.int32),
        pltpu.VMEM((K,), jnp.float32),
        pltpu.VMEM_SHARED((N,), jnp.float32),
        pltpu.VMEM_SHARED((NP,), jnp.float32),
    ],
)
def _sc_edge2(z_hbm, src_hbm, dst_hbm, zer_hbm, out_hbm,
              src_vm, dst_vm, buf, z_sh, acc_sh):
    c = lax.axis_index("c")
    s = lax.axis_index("s")
    wid = c * NS + s
    pltpu.sync_copy(src_hbm.at[wid], src_vm)
    pltpu.sync_copy(dst_hbm.at[wid], dst_vm)

    @pl.when(s == 0)
    def _():
        pltpu.sync_copy(z_hbm, z_sh)

    pltpu.sync_copy(zer_hbm, acc_sh.at[pl.ds(s * RPT, RPT)])
    plsc.subcore_barrier()

    def body(j, carry):
        pltpu.sync_copy(z_sh.at[src_vm.at[j]], buf)
        pltpu.sync_copy(buf, acc_sh.at[dst_vm.at[j]], add=True)
        return carry

    lax.fori_loop(0, BPW, body, 0)
    plsc.subcore_barrier()
    pltpu.sync_copy(acc_sh.at[pl.ds(s * RPT, RPT)],
                    out_hbm.at[pl.ds(c * NP + s * RPT, RPT)])



def _dis(hist_ref):
    h = hist_ref[...]
    deg = h[0, :N] + h[1, :N] + 1.0
    return lax.rsqrt(deg)


def _tc_y1_body(hist_ref, x_ref, w1_ref, y_ref):
    dis = _dis(hist_ref)
    xw = jnp.dot(x_ref[...], w1_ref[...], preferred_element_type=jnp.float32)
    y_ref[:, :HID] = xw * dis[:, None]
    y_ref[:, HID:] = jnp.zeros((N, HID), jnp.float32)


_tc_y1 = pl.pallas_call(
    _tc_y1_body,
    out_shape=jax.ShapeDtypeStruct((N, 2 * HID), jnp.float32),
)


def _tc_hz_body(hist_ref, s1_ref, y_ref, b1_ref, w2_ref, z_ref):
    dis = _dis(hist_ref)
    s1 = s1_ref[0, :N, :HID] + s1_ref[1, :N, :HID] + y_ref[:, :HID]
    hdn = jax.nn.relu(s1 * dis[:, None] + b1_ref[...])
    z = jnp.sum(hdn * w2_ref[...][:, 0][None, :], axis=1) * dis
    z_ref[...] = z[:, None]


_tc_hz = pl.pallas_call(
    _tc_hz_body,
    out_shape=jax.ShapeDtypeStruct((N, 1), jnp.float32),
)


def _tc_out_body(hist_ref, s2_ref, z_ref, b2_ref, o_ref):
    dis = _dis(hist_ref)
    s2 = s2_ref[0, :N] + s2_ref[1, :N] + z_ref[...][:, 0]
    o_ref[...] = (dis * s2 + b2_ref[...])[:, None]


_tc_out = pl.pallas_call(
    _tc_out_body,
    out_shape=jax.ShapeDtypeStruct((N, 1), jnp.float32),
)



def kernel(x, edge_index, W1, b1, W2, b2):
    src = edge_index[0].astype(jnp.int32)
    dst = edge_index[1].astype(jnp.int32)
    pad = E_PAD - E
    pad_dst = N + jnp.arange(pad, dtype=jnp.int32) % (NP - N)
    pad_src = jnp.arange(pad, dtype=jnp.int32) % N
    srcp = jnp.concatenate([src, pad_src]).reshape(NW, BPW, K)
    dstp = jnp.concatenate([dst, pad_dst]).reshape(NW, BPW, K)
    ones_k = jnp.ones((K,), jnp.float32)
    zer_r = jnp.zeros((RPT,), jnp.float32)
    zer_kh = jnp.zeros((RPT, 2 * HID), jnp.float32)

    hist = _sc_hist(dstp, ones_k, zer_r).reshape(NC, NP)
    y1 = _tc_y1(hist, x, W1)
    s1 = _sc_edge1(y1, srcp, dstp, zer_kh).reshape(NC, NP, 2 * HID)
    z = _tc_hz(hist, s1, y1, b1, W2)
    s2 = _sc_edge2(z.reshape(N), srcp, dstp, zer_r).reshape(NC, NP)
    return _tc_out(hist, s2, z, b2)

# --- scband reference (transcript-rebuilt; emitter-appended) ---
"""Pipeline reference for scband-pvgraph-model-39994735461060 (READ-ONLY COPY).

The authoritative reference and input builder live on the scoring server;
editing this copy changes nothing except your own understanding.
"""

import jax, jax.numpy as jnp
import numpy as np


def gcn_conv(x, edge_index, W, b):
    N = x.shape[0]
    src = edge_index[0]
    dst = edge_index[1]
    loop = jnp.arange(N, dtype=src.dtype)
    src = jnp.concatenate([src, loop])
    dst = jnp.concatenate([dst, loop])
    deg = jnp.zeros((N,), dtype=x.dtype).at[dst].add(1.0)
    deg_inv_sqrt = jnp.where(deg > 0, jax.lax.rsqrt(deg), 0.0)
    norm = deg_inv_sqrt[src] * deg_inv_sqrt[dst]
    xW = x @ W
    msg = xW[src] * norm[:, None]
    out = jnp.zeros((N, W.shape[1]), dtype=x.dtype).at[dst].add(msg)
    return out + b


def setup_inputs(seed: int = 0) -> dict:
    key = jax.random.key(seed)
    k_x, k_e, k_w1, k_b1, k_w2, k_b2 = jax.random.split(key, 6)
    N, E, in_dim, hidden = 10000, 320000, 128, 64
    x = jax.random.normal(k_x, (N, in_dim), dtype=jnp.float32)
    edge_index = jax.random.randint(k_e, (2, E), 0, N, dtype=jnp.int64)
    s1 = 1.0 / np.sqrt(in_dim)
    s2 = 1.0 / np.sqrt(hidden)
    W1 = jax.random.uniform(k_w1, (in_dim, hidden), dtype=jnp.float32, minval=-s1, maxval=s1)
    b1 = jax.random.uniform(k_b1, (hidden,), dtype=jnp.float32, minval=-s1, maxval=s1)
    W2 = jax.random.uniform(k_w2, (hidden, 1), dtype=jnp.float32, minval=-s2, maxval=s2)
    b2 = jax.random.uniform(k_b2, (1,), dtype=jnp.float32, minval=-s2, maxval=s2)
    return {"x": x, "edge_index": edge_index, "W1": W1, "b1": b1, "W2": W2, "b2": b2}


def reference(x, edge_index, W1, b1, W2, b2):
    h = gcn_conv(x, edge_index, W1, b1)
    h = jax.nn.relu(h)
    out = gcn_conv(h, edge_index, W2, b2)
    return out

if __name__ == "__main__":
    import jax
    _d = setup_inputs()
    print(jax.jit(kernel)(*tuple(_d.values())))

</pallas_src>

<mosaic_0001>
#map = affine_map<(d0, d1) -> (0, 0, 0)>
#map1 = affine_map<(d0, d1) -> (0)>
module attributes {stable_mosaic.version = 14 : i64} {
  func.func @_sc_hist(%arg0: i32, %arg1: i32, %arg2: memref<32x80x128xi32, #tpu.memory_space<hbm>>, %arg3: memref<128xf32, #tpu.memory_space<hbm>>, %arg4: memref<640xf32, #tpu.memory_space<hbm>>, %arg5: memref<20480xf32, #tpu.memory_space<hbm>>, %arg6: memref<80x128xi32, #tpu.memory_space<vmem>>, %arg7: memref<128xf32, #tpu.memory_space<vmem>>, %arg8: memref<10240xf32, #tpu.memory_space<vmem_shared>>) attributes {dimension_semantics = [#tpu.dimension_semantics<core_parallel>, #tpu.dimension_semantics<subcore_parallel>], iteration_bounds = array<i64: 2, 16>, scalar_prefetch = 0 : i64, scratch_operands = 3 : i64, tpu.core_type = #tpu.core_type<sc_vector_subcore>, window_params = [{transform_indices = #map}, {transform_indices = #map1}, {transform_indices = #map1}, {transform_indices = #map1}]} {
    %mul3A = arith.constant 16 : i32
    %mul3A_0 = arith.muli %arg0, %mul3A : i32
    %add3A = arith.addi %mul3A_0, %arg1 : i32
    "tpu.region"() ({
      %run_scoped3A = tpu.sem_alloc : memref<!tpu.dma_semaphore, #tpu.memory_space<semaphore_mem>>
      %dma_start3A = arith.constant 0 : i32
      %dma_start3A_16 = arith.constant 0 : i32
      %dma_start3A_17 = tpu.memref_slice %arg2[%add3A, %dma_start3A, %dma_start3A_16] : memref<32x80x128xi32, #tpu.memory_space<hbm>> -> memref<1x80x128xi32, #tpu.memory_space<hbm>>
      %dma_start3A_18 = tpu.memref_squeeze %dma_start3A_17 : memref<1x80x128xi32, #tpu.memory_space<hbm>> -> memref<80x128xi32, #tpu.memory_space<hbm>>
      %dma_start3A_19 = arith.constant 0 : i32
      %dma_start3A_20 = arith.constant 0 : i32
      %dma_start3A_21 = tpu.memref_slice %arg2[%add3A, %dma_start3A_19, %dma_start3A_20] : memref<32x80x128xi32, #tpu.memory_space<hbm>> -> memref<1x80x128xi32, #tpu.memory_space<hbm>>
      %dma_start3A_22 = tpu.memref_squeeze %dma_start3A_21 : memref<1x80x128xi32, #tpu.memory_space<hbm>> -> memref<80x128xi32, #tpu.memory_space<hbm>>
      tpu.enqueue_dma source(%dma_start3A_22 : memref<80x128xi32, #tpu.memory_space<hbm>>) target(%arg6 : memref<80x128xi32, #tpu.memory_space<vmem>>) target_semaphore(%run_scoped3A : memref<!tpu.dma_semaphore, #tpu.memory_space<semaphore_mem>>)
      %dma_wait3A = arith.constant 0 : i32
      %dma_wait3A_23 = arith.constant 0 : i32
      %dma_wait3A_24 = tpu.memref_slice %arg2[%add3A, %dma_wait3A, %dma_wait3A_23] : memref<32x80x128xi32, #tpu.memory_space<hbm>> -> memref<1x80x128xi32, #tpu.memory_space<hbm>>
      %dma_wait3A_25 = tpu.memref_squeeze %dma_wait3A_24 : memref<1x80x128xi32, #tpu.memory_space<hbm>> -> memref<80x128xi32, #tpu.memory_space<hbm>>
      %dma_wait3A_26 = arith.constant 0 : i32
      %dma_wait3A_27 = arith.constant 0 : i32
      %dma_wait3A_28 = tpu.memref_slice %arg2[%add3A, %dma_wait3A_26, %dma_wait3A_27] : memref<32x80x128xi32, #tpu.memory_space<hbm>> -> memref<1x80x128xi32, #tpu.memory_space<hbm>>
      %dma_wait3A_29 = tpu.memref_squeeze %dma_wait3A_28 : memref<1x80x128xi32, #tpu.memory_space<hbm>> -> memref<80x128xi32, #tpu.memory_space<hbm>>
      tpu.wait_dma2 semaphore(%run_scoped3A : memref<!tpu.dma_semaphore, #tpu.memory_space<semaphore_mem>>) src(%dma_wait3A_29 : memref<80x128xi32, #tpu.memory_space<hbm>>) dst(%arg6 : memref<80x128xi32, #tpu.memory_space<vmem>>)
      tpu.yield
    }) : () -> ()
    "tpu.region"() ({
      %run_scoped3A = tpu.sem_alloc : memref<!tpu.dma_semaphore, #tpu.memory_space<semaphore_mem>>
      tpu.enqueue_dma source(%arg3 : memref<128xf32, #tpu.memory_space<hbm>>) target(%arg7 : memref<128xf32, #tpu.memory_space<vmem>>) target_semaphore(%run_scoped3A : memref<!tpu.dma_semaphore, #tpu.memory_space<semaphore_mem>>)
      tpu.wait_dma2 semaphore(%run_scoped3A : memref<!tpu.dma_semaphore, #tpu.memory_space<semaphore_mem>>) src(%arg3 : memref<128xf32, #tpu.memory_space<hbm>>) dst(%arg7 : memref<128xf32, #tpu.memory_space<vmem>>)
      tpu.yield
    }) : () -> ()
    %mul3A_1 = arith.constant 640 : i32
    %mul3A_2 = arith.muli %arg1, %mul3A_1 : i32
    "tpu.region"() ({
      %run_scoped3A = tpu.sem_alloc : memref<!tpu.dma_semaphore, #tpu.memory_space<semaphore_mem>>
      %dma_start3A = tpu.memref_slice %arg8[%mul3A_2] : memref<10240xf32, #tpu.memory_space<vmem_shared>> -> memref<640xf32, #tpu.memory_space<vmem_shared>>
      tpu.enqueue_dma source(%arg4 : memref<640xf32, #tpu.memory_space<hbm>>) target(%dma_start3A : memref<640xf32, #tpu.memory_space<vmem_shared>>) target_semaphore(%run_scoped3A : memref<!tpu.dma_semaphore, #tpu.memory_space<semaphore_mem>>)
      %dma_wait3A = tpu.memref_slice %arg8[%mul3A_2] : memref<10240xf32, #tpu.memory_space<vmem_shared>> -> memref<640xf32, #tpu.memory_space<vmem_shared>>
      tpu.wait_dma2 semaphore(%run_scoped3A : memref<!tpu.dma_semaphore, #tpu.memory_space<semaphore_mem>>) src(%arg4 : memref<640xf32, #tpu.memory_space<hbm>>) dst(%dma_wait3A : memref<640xf32, #tpu.memory_space<vmem_shared>>)
      tpu.yield
    }) : () -> ()
    %barrier3A = arith.constant 0 : index
    tpu.barrier barrier_id(%barrier3A)
    %scan3A = arith.constant 0 : i32
    %scan3A_3 = arith.constant 0 : i32
    %scan3A_4 = arith.constant 80 : i32
    %scan3A_5 = arith.addi %scan3A_3, %scan3A_4 : i32
    %scan3A_6 = arith.constant 1 : i32
    scf.for %scan3A_16 = %scan3A_3 to %scan3A_5 step %scan3A_6  : i32 {
      "tpu.region"() ({
        %run_scoped3A = tpu.sem_alloc : memref<!tpu.dma_semaphore, #tpu.memory_space<semaphore_mem>>
        %dma_start3A = arith.constant 0 : i32
        %dma_start3A_17 = tpu.memref_slice %arg6[%scan3A_16, %dma_start3A] : memref<80x128xi32, #tpu.memory_space<vmem>> -> memref<1x128xi32, #tpu.memory_space<vmem>>
        %dma_start3A_18 = tpu.memref_squeeze %dma_start3A_17 : memref<1x128xi32, #tpu.memory_space<vmem>> -> memref<128xi32, #tpu.memory_space<vmem>>
        %dma_start3A_19 = arith.constant 0 : i32
        %dma_start3A_20 = tpu.memref_slice %arg8[%dma_start3A_19] : memref<10240xf32, #tpu.memory_space<vmem_shared>> -> memref<10240xf32, #tpu.memory_space<vmem_shared>>
        tpu.enqueue_indirect_dma source(%arg7 : memref<128xf32, #tpu.memory_space<vmem>>) target(%dma_start3A_20 : memref<10240xf32, #tpu.memory_space<vmem_shared>>) offsets(%dma_start3A_18 : memref<128xi32, #tpu.memory_space<vmem>>) semaphore(%run_scoped3A : memref<!tpu.dma_semaphore, #tpu.memory_space<semaphore_mem>>) {add = true}
        %dma_wait3A = arith.constant 0 : i32
        %dma_wait3A_21 = tpu.memref_slice %arg6[%scan3A_16, %dma_wait3A] : memref<80x128xi32, #tpu.memory_space<vmem>> -> memref<1x128xi32, #tpu.memory_space<vmem>>
        %dma_wait3A_22 = tpu.memref_squeeze %dma_wait3A_21 : memref<1x128xi32, #tpu.memory_space<vmem>> -> memref<128xi32, #tpu.memory_space<vmem>>
        %dma_wait3A_23 = arith.constant 0 : i32
        %dma_wait3A_24 = tpu.memref_slice %arg8[%dma_wait3A_23] : memref<10240xf32, #tpu.memory_space<vmem_shared>> -> memref<10240xf32, #tpu.memory_space<vmem_shared>>
        tpu.wait_indirect_dma semaphore(%run_scoped3A : memref<!tpu.dma_semaphore, #tpu.memory_space<semaphore_mem>>) src(%arg7 : memref<128xf32, #tpu.memory_space<vmem>>) dst(%dma_wait3A_24 : memref<10240xf32, #tpu.memory_space<vmem_shared>>)
        tpu.yield
      }) : () -> ()
    }
    %scan3A_7 = arith.constant 80 : i32
    %barrier3A_8 = arith.constant 0 : index
    tpu.barrier barrier_id(%barrier3A_8)
    %mul3A_9 = arith.constant 640 : i32
    %mul3A_10 = arith.muli %arg1, %mul3A_9 : i32
    %mul3A_11 = arith.constant 10240 : i32
    %mul3A_12 = arith.muli %arg0, %mul3A_11 : i32
    %mul3A_13 = arith.constant 640 : i32
    %mul3A_14 = arith.muli %arg1, %mul3A_13 : i32
    %add3A_15 = arith.addi %mul3A_12, %mul3A_14 : i32
    "tpu.region"() ({
      %run_scoped3A = tpu.sem_alloc : memref<!tpu.dma_semaphore, #tpu.memory_space<semaphore_mem>>
      %dma_start3A = tpu.memref_slice %arg5[%add3A_15] : memref<20480xf32, #tpu.memory_space<hbm>> -> memref<640xf32, #tpu.memory_space<hbm>>
      %dma_start3A_16 = tpu.memref_slice %arg8[%mul3A_10] : memref<10240xf32, #tpu.memory_space<vmem_shared>> -> memref<640xf32, #tpu.memory_space<vmem_shared>>
      tpu.enqueue_dma source(%dma_start3A_16 : memref<640xf32, #tpu.memory_space<vmem_shared>>) target(%dma_start3A : memref<640xf32, #tpu.memory_space<hbm>>) target_semaphore(%run_scoped3A : memref<!tpu.dma_semaphore, #tpu.memory_space<semaphore_mem>>)
      %dma_wait3A = tpu.memref_slice %arg5[%add3A_15] : memref<20480xf32, #tpu.memory_space<hbm>> -> memref<640xf32, #tpu.memory_space<hbm>>
      %dma_wait3A_17 = tpu.memref_slice %arg8[%mul3A_10] : memref<10240xf32, #tpu.memory_space<vmem_shared>> -> memref<640xf32, #tpu.memory_space<vmem_shared>>
      tpu.wait_dma2 semaphore(%run_scoped3A : memref<!tpu.dma_semaphore, #tpu.memory_space<semaphore_mem>>) src(%dma_wait3A_17 : memref<640xf32, #tpu.memory_space<vmem_shared>>) dst(%dma_wait3A : memref<640xf32, #tpu.memory_space<hbm>>)
      tpu.yield
    }) : () -> ()
    return
  }
}

#map = affine_map<(d0, d1) -> (0)>
#map1 = affine_map<(d0, d1) -> (0, 0, 0)>
module attributes {stable_mosaic.version = 14 : i64} {
  func.func @_sc_edge2(%arg0: i32, %arg1: i32, %arg2: memref<10000xf32, #tpu.memory_space<hbm>>, %arg3: memref<32x80x128xi32, #tpu.memory_space<hbm>>, %arg4: memref<32x80x128xi32, #tpu.memory_space<hbm>>, %arg5: memref<640xf32, #tpu.memory_space<hbm>>, %arg6: memref<20480xf32, #tpu.memory_space<hbm>>, %arg7: memref<80x128xi32, #tpu.memory_space<vmem>>, %arg8: memref<80x128xi32, #tpu.memory_space<vmem>>, %arg9: memref<128xf32, #tpu.memory_space<vmem>>, %arg10: memref<10000xf32, #tpu.memory_space<vmem_shared>>, %arg11: memref<10240xf32, #tpu.memory_space<vmem_shared>>) attributes {dimension_semantics = [#tpu.dimension_semantics<core_parallel>, #tpu.dimension_semantics<subcore_parallel>], iteration_bounds = array<i64: 2, 16>, scalar_prefetch = 0 : i64, scratch_operands = 5 : i64, tpu.core_type = #tpu.core_type<sc_vector_subcore>, window_params = [{transform_indices = #map}, {transform_indices = #map1}, {transform_indices = #map1}, {transform_indices = #map}, {transform_indices = #map}]} {
    %mul3A = arith.constant 16 : i32
    %mul3A_0 = arith.muli %arg0, %mul3A : i32
    %add3A = arith.addi %mul3A_0, %arg1 : i32
    "tpu.region"() ({
      %run_scoped3A = tpu.sem_alloc : memref<!tpu.dma_semaphore, #tpu.memory_space<semaphore_mem>>
      %dma_start3A = arith.constant 0 : i32
      %dma_start3A_18 = arith.constant 0 : i32
      %dma_start3A_19 = tpu.memref_slice %arg3[%add3A, %dma_start3A, %dma_start3A_18] : memref<32x80x128xi32, #tpu.memory_space<hbm>> -> memref<1x80x128xi32, #tpu.memory_space<hbm>>
      %dma_start3A_20 = tpu.memref_squeeze %dma_start3A_19 : memref<1x80x128xi32, #tpu.memory_space<hbm>> -> memref<80x128xi32, #tpu.memory_space<hbm>>
      %dma_start3A_21 = arith.constant 0 : i32
      %dma_start3A_22 = arith.constant 0 : i32
      %dma_start3A_23 = tpu.memref_slice %arg3[%add3A, %dma_start3A_21, %dma_start3A_22] : memref<32x80x128xi32, #tpu.memory_space<hbm>> -> memref<1x80x128xi32, #tpu.memory_space<hbm>>
      %dma_start3A_24 = tpu.memref_squeeze %dma_start3A_23 : memref<1x80x128xi32, #tpu.memory_space<hbm>> -> memref<80x128xi32, #tpu.memory_space<hbm>>
      tpu.enqueue_dma source(%dma_start3A_24 : memref<80x128xi32, #tpu.memory_space<hbm>>) target(%arg7 : memref<80x128xi32, #tpu.memory_space<vmem>>) target_semaphore(%run_scoped3A : memref<!tpu.dma_semaphore, #tpu.memory_space<semaphore_mem>>)
      %dma_wait3A = arith.constant 0 : i32
      %dma_wait3A_25 = arith.constant 0 : i32
      %dma_wait3A_26 = tpu.memref_slice %arg3[%add3A, %dma_wait3A, %dma_wait3A_25] : memref<32x80x128xi32, #tpu.memory_space<hbm>> -> memref<1x80x128xi32, #tpu.memory_space<hbm>>
      %dma_wait3A_27 = tpu.memref_squeeze %dma_wait3A_26 : memref<1x80x128xi32, #tpu.memory_space<hbm>> -> memref<80x128xi32, #tpu.memory_space<hbm>>
      %dma_wait3A_28 = arith.constant 0 : i32
      %dma_wait3A_29 = arith.constant 0 : i32
      %dma_wait3A_30 = tpu.memref_slice %arg3[%add3A, %dma_wait3A_28, %dma_wait3A_29] : memref<32x80x128xi32, #tpu.memory_space<hbm>> -> memref<1x80x128xi32, #tpu.memory_space<hbm>>
      %dma_wait3A_31 = tpu.memref_squeeze %dma_wait3A_30 : memref<1x80x128xi32, #tpu.memory_space<hbm>> -> memref<80x128xi32, #tpu.memory_space<hbm>>
      tpu.wait_dma2 semaphore(%run_scoped3A : memref<!tpu.dma_semaphore, #tpu.memory_space<semaphore_mem>>) src(%dma_wait3A_31 : memref<80x128xi32, #tpu.memory_space<hbm>>) dst(%arg7 : memref<80x128xi32, #tpu.memory_space<vmem>>)
      tpu.yield
    }) : () -> ()
    "tpu.region"() ({
      %run_scoped3A = tpu.sem_alloc : memref<!tpu.dma_semaphore, #tpu.memory_space<semaphore_mem>>
      %dma_start3A = arith.constant 0 : i32
      %dma_start3A_18 = arith.constant 0 : i32
      %dma_start3A_19 = tpu.memref_slice %arg4[%add3A, %dma_start3A, %dma_start3A_18] : memref<32x80x128xi32, #tpu.memory_space<hbm>> -> memref<1x80x128xi32, #tpu.memory_space<hbm>>
      %dma_start3A_20 = tpu.memref_squeeze %dma_start3A_19 : memref<1x80x128xi32, #tpu.memory_space<hbm>> -> memref<80x128xi32, #tpu.memory_space<hbm>>
      %dma_start3A_21 = arith.constant 0 : i32
      %dma_start3A_22 = arith.constant 0 : i32
      %dma_start3A_23 = tpu.memref_slice %arg4[%add3A, %dma_start3A_21, %dma_start3A_22] : memref<32x80x128xi32, #tpu.memory_space<hbm>> -> memref<1x80x128xi32, #tpu.memory_space<hbm>>
      %dma_start3A_24 = tpu.memref_squeeze %dma_start3A_23 : memref<1x80x128xi32, #tpu.memory_space<hbm>> -> memref<80x128xi32, #tpu.memory_space<hbm>>
      tpu.enqueue_dma source(%dma_start3A_24 : memref<80x128xi32, #tpu.memory_space<hbm>>) target(%arg8 : memref<80x128xi32, #tpu.memory_space<vmem>>) target_semaphore(%run_scoped3A : memref<!tpu.dma_semaphore, #tpu.memory_space<semaphore_mem>>)
      %dma_wait3A = arith.constant 0 : i32
      %dma_wait3A_25 = arith.constant 0 : i32
      %dma_wait3A_26 = tpu.memref_slice %arg4[%add3A, %dma_wait3A, %dma_wait3A_25] : memref<32x80x128xi32, #tpu.memory_space<hbm>> -> memref<1x80x128xi32, #tpu.memory_space<hbm>>
      %dma_wait3A_27 = tpu.memref_squeeze %dma_wait3A_26 : memref<1x80x128xi32, #tpu.memory_space<hbm>> -> memref<80x128xi32, #tpu.memory_space<hbm>>
      %dma_wait3A_28 = arith.constant 0 : i32
      %dma_wait3A_29 = arith.constant 0 : i32
      %dma_wait3A_30 = tpu.memref_slice %arg4[%add3A, %dma_wait3A_28, %dma_wait3A_29] : memref<32x80x128xi32, #tpu.memory_space<hbm>> -> memref<1x80x128xi32, #tpu.memory_space<hbm>>
      %dma_wait3A_31 = tpu.memref_squeeze %dma_wait3A_30 : memref<1x80x128xi32, #tpu.memory_space<hbm>> -> memref<80x128xi32, #tpu.memory_space<hbm>>
      tpu.wait_dma2 semaphore(%run_scoped3A : memref<!tpu.dma_semaphore, #tpu.memory_space<semaphore_mem>>) src(%dma_wait3A_31 : memref<80x128xi32, #tpu.memory_space<hbm>>) dst(%arg8 : memref<80x128xi32, #tpu.memory_space<vmem>>)
      tpu.yield
    }) : () -> ()
    %eq3A = arith.constant 0 : i32
    %eq3A_1 = arith.cmpi eq, %arg1, %eq3A : i32
    %convert_element_type3A = arith.extui %eq3A_1 : i1 to i32
    %cond3A = arith.constant 0 : i32
    %cond3A_2 = arith.cmpi ne, %convert_element_type3A, %cond3A : i32
    scf.if %cond3A_2 {
      "tpu.region"() ({
        %run_scoped3A = tpu.sem_alloc : memref<!tpu.dma_semaphore, #tpu.memory_space<semaphore_mem>>
        tpu.enqueue_dma source(%arg2 : memref<10000xf32, #tpu.memory_space<hbm>>) target(%arg10 : memref<10000xf32, #tpu.memory_space<vmem_shared>>) target_semaphore(%run_scoped3A : memref<!tpu.dma_semaphore, #tpu.memory_space<semaphore_mem>>)
        tpu.wait_dma2 semaphore(%run_scoped3A : memref<!tpu.dma_semaphore, #tpu.memory_space<semaphore_mem>>) src(%arg2 : memref<10000xf32, #tpu.memory_space<hbm>>) dst(%arg10 : memref<10000xf32, #tpu.memory_space<vmem_shared>>)
        tpu.yield
      }) : () -> ()
    } else {
    }
    %mul3A_3 = arith.constant 640 : i32
    %mul3A_4 = arith.muli %arg1, %mul3A_3 : i32
    "tpu.region"() ({
      %run_scoped3A = tpu.sem_alloc : memref<!tpu.dma_semaphore, #tpu.memory_space<semaphore_mem>>
      %dma_start3A = tpu.memref_slice %arg11[%mul3A_4] : memref<10240xf32, #tpu.memory_space<vmem_shared>> -> memref<640xf32, #tpu.memory_space<vmem_shared>>
      tpu.enqueue_dma source(%arg5 : memref<640xf32, #tpu.memory_space<hbm>>) target(%dma_start3A : memref<640xf32, #tpu.memory_space<vmem_shared>>) target_semaphore(%run_scoped3A : memref<!tpu.dma_semaphore, #tpu.memory_space<semaphore_mem>>)
      %dma_wait3A = tpu.memref_slice %arg11[%mul3A_4] : memref<10240xf32, #tpu.memory_space<vmem_shared>> -> memref<640xf32, #tpu.memory_space<vmem_shared>>
      tpu.wait_dma2 semaphore(%run_scoped3A : memref<!tpu.dma_semaphore, #tpu.memory_space<semaphore_mem>>) src(%arg5 : memref<640xf32, #tpu.memory_space<hbm>>) dst(%dma_wait3A : memref<640xf32, #tpu.memory_space<vmem_shared>>)
      tpu.yield
    }) : () -> ()
    %barrier3A = arith.constant 0 : index
    tpu.barrier barrier_id(%barrier3A)
    %scan3A = arith.constant 0 : i32
    %scan3A_5 = arith.constant 0 : i32
    %scan3A_6 = arith.constant 80 : i32
    %scan3A_7 = arith.addi %scan3A_5, %scan3A_6 : i32
    %scan3A_8 = arith.constant 1 : i32
    scf.for %scan3A_18 = %scan3A_5 to %scan3A_7 step %scan3A_8  : i32 {
      "tpu.region"() ({
        %run_scoped3A = tpu.sem_alloc : memref<!tpu.dma_semaphore, #tpu.memory_space<semaphore_mem>>
        %dma_start3A = arith.constant 0 : i32
        %dma_start3A_19 = tpu.memref_slice %arg7[%scan3A_18, %dma_start3A] : memref<80x128xi32, #tpu.memory_space<vmem>> -> memref<1x128xi32, #tpu.memory_space<vmem>>
        %dma_start3A_20 = tpu.memref_squeeze %dma_start3A_19 : memref<1x128xi32, #tpu.memory_space<vmem>> -> memref<128xi32, #tpu.memory_space<vmem>>
        %dma_start3A_21 = arith.constant 0 : i32
        %dma_start3A_22 = tpu.memref_slice %arg10[%dma_start3A_21] : memref<10000xf32, #tpu.memory_space<vmem_shared>> -> memref<10000xf32, #tpu.memory_space<vmem_shared>>
        tpu.enqueue_indirect_dma source(%dma_start3A_22 : memref<10000xf32, #tpu.memory_space<vmem_shared>>) target(%arg9 : memref<128xf32, #tpu.memory_space<vmem>>) offsets(%dma_start3A_20 : memref<128xi32, #tpu.memory_space<vmem>>) semaphore(%run_scoped3A : memref<!tpu.dma_semaphore, #tpu.memory_space<semaphore_mem>>)
        %dma_wait3A = arith.constant 0 : i32
        %dma_wait3A_23 = tpu.memref_slice %arg7[%scan3A_18, %dma_wait3A] : memref<80x128xi32, #tpu.memory_space<vmem>> -> memref<1x128xi32, #tpu.memory_space<vmem>>
        %dma_wait3A_24 = tpu.memref_squeeze %dma_wait3A_23 : memref<1x128xi32, #tpu.memory_space<vmem>> -> memref<128xi32, #tpu.memory_space<vmem>>
        %dma_wait3A_25 = arith.constant 0 : i32
        %dma_wait3A_26 = tpu.memref_slice %arg10[%dma_wait3A_25] : memref<10000xf32, #tpu.memory_space<vmem_shared>> -> memref<10000xf32, #tpu.memory_space<vmem_shared>>
        tpu.wait_indirect_dma semaphore(%run_scoped3A : memref<!tpu.dma_semaphore, #tpu.memory_space<semaphore_mem>>) src(%dma_wait3A_26 : memref<10000xf32, #tpu.memory_space<vmem_shared>>) dst(%arg9 : memref<128xf32, #tpu.memory_space<vmem>>)
        tpu.yield
      }) : () -> ()
      "tpu.region"() ({
        %run_scoped3A = tpu.sem_alloc : memref<!tpu.dma_semaphore, #tpu.memory_space<semaphore_mem>>
        %dma_start3A = arith.constant 0 : i32
        %dma_start3A_19 = tpu.memref_slice %arg8[%scan3A_18, %dma_start3A] : memref<80x128xi32, #tpu.memory_space<vmem>> -> memref<1x128xi32, #tpu.memory_space<vmem>>
        %dma_start3A_20 = tpu.memref_squeeze %dma_start3A_19 : memref<1x128xi32, #tpu.memory_space<vmem>> -> memref<128xi32, #tpu.memory_space<vmem>>
        %dma_start3A_21 = arith.constant 0 : i32
        %dma_start3A_22 = tpu.memref_slice %arg11[%dma_start3A_21] : memref<10240xf32, #tpu.memory_space<vmem_shared>> -> memref<10240xf32, #tpu.memory_space<vmem_shared>>
        tpu.enqueue_indirect_dma source(%arg9 : memref<128xf32, #tpu.memory_space<vmem>>) target(%dma_start3A_22 : memref<10240xf32, #tpu.memory_space<vmem_shared>>) offsets(%dma_start3A_20 : memref<128xi32, #tpu.memory_space<vmem>>) semaphore(%run_scoped3A : memref<!tpu.dma_semaphore, #tpu.memory_space<semaphore_mem>>) {add = true}
        %dma_wait3A = arith.constant 0 : i32
        %dma_wait3A_23 = tpu.memref_slice %arg8[%scan3A_18, %dma_wait3A] : memref<80x128xi32, #tpu.memory_space<vmem>> -> memref<1x128xi32, #tpu.memory_space<vmem>>
        %dma_wait3A_24 = tpu.memref_squeeze %dma_wait3A_23 : memref<1x128xi32, #tpu.memory_space<vmem>> -> memref<128xi32, #tpu.memory_space<vmem>>
        %dma_wait3A_25 = arith.constant 0 : i32
        %dma_wait3A_26 = tpu.memref_slice %arg11[%dma_wait3A_25] : memref<10240xf32, #tpu.memory_space<vmem_shared>> -> memref<10240xf32, #tpu.memory_space<vmem_shared>>
        tpu.wait_indirect_dma semaphore(%run_scoped3A : memref<!tpu.dma_semaphore, #tpu.memory_space<semaphore_mem>>) src(%arg9 : memref<128xf32, #tpu.memory_space<vmem>>) dst(%dma_wait3A_26 : memref<10240xf32, #tpu.memory_space<vmem_shared>>)
        tpu.yield
      }) : () -> ()
    }
    %scan3A_9 = arith.constant 80 : i32
    %barrier3A_10 = arith.constant 0 : index
    tpu.barrier barrier_id(%barrier3A_10)
    %mul3A_11 = arith.constant 640 : i32
    %mul3A_12 = arith.muli %arg1, %mul3A_11 : i32
    %mul3A_13 = arith.constant 10240 : i32
    %mul3A_14 = arith.muli %arg0, %mul3A_13 : i32
    %mul3A_15 = arith.constant 640 : i32
    %mul3A_16 = arith.muli %arg1, %mul3A_15 : i32
    %add3A_17 = arith.addi %mul3A_14, %mul3A_16 : i32
    "tpu.region"() ({
      %run_scoped3A = tpu.sem_alloc : memref<!tpu.dma_semaphore, #tpu.memory_space<semaphore_mem>>
      %dma_start3A = tpu.memref_slice %arg6[%add3A_17] : memref<20480xf32, #tpu.memory_space<hbm>> -> memref<640xf32, #tpu.memory_space<hbm>>
      %dma_start3A_18 = tpu.memref_slice %arg11[%mul3A_12] : memref<10240xf32, #tpu.memory_space<vmem_shared>> -> memref<640xf32, #tpu.memory_space<vmem_shared>>
      tpu.enqueue_dma source(%dma_start3A_18 : memref<640xf32, #tpu.memory_space<vmem_shared>>) target(%dma_start3A : memref<640xf32, #tpu.memory_space<hbm>>) target_semaphore(%run_scoped3A : memref<!tpu.dma_semaphore, #tpu.memory_space<semaphore_mem>>)
      %dma_wait3A = tpu.memref_slice %arg6[%add3A_17] : memref<20480xf32, #tpu.memory_space<hbm>> -> memref<640xf32, #tpu.memory_space<hbm>>
      %dma_wait3A_19 = tpu.memref_slice %arg11[%mul3A_12] : memref<10240xf32, #tpu.memory_space<vmem_shared>> -> memref<640xf32, #tpu.memory_space<vmem_shared>>
      tpu.wait_dma2 semaphore(%run_scoped3A : memref<!tpu.dma_semaphore, #tpu.memory_space<semaphore_mem>>) src(%dma_wait3A_19 : memref<640xf32, #tpu.memory_space<vmem_shared>>) dst(%dma_wait3A : memref<640xf32, #tpu.memory_space<hbm>>)
      tpu.yield
    }) : () -> ()
    return
  }
}

#map = affine_map<(d0, d1) -> (0, 0)>
#map1 = affine_map<(d0, d1) -> (0, 0, 0)>
module attributes {stable_mosaic.version = 14 : i64} {
  func.func @_sc_edge1(%arg0: i32, %arg1: i32, %arg2: memref<10000x128xf32, #tpu.memory_space<hbm>>, %arg3: memref<32x80x128xi32, #tpu.memory_space<hbm>>, %arg4: memref<32x80x128xi32, #tpu.memory_space<hbm>>, %arg5: memref<640x128xf32, #tpu.memory_space<hbm>>, %arg6: memref<20480x128xf32, #tpu.memory_space<hbm>>, %arg7: memref<80x128xi32, #tpu.memory_space<vmem>>, %arg8: memref<80x128xi32, #tpu.memory_space<vmem>>, %arg9: memref<128x128xf32, #tpu.memory_space<vmem>>, %arg10: memref<10240x128xf32, #tpu.memory_space<vmem_shared>>) attributes {dimension_semantics = [#tpu.dimension_semantics<core_parallel>, #tpu.dimension_semantics<subcore_parallel>], iteration_bounds = array<i64: 2, 16>, scalar_prefetch = 0 : i64, scratch_operands = 4 : i64, tpu.core_type = #tpu.core_type<sc_vector_subcore>, window_params = [{transform_indices = #map}, {transform_indices = #map1}, {transform_indices = #map1}, {transform_indices = #map}, {transform_indices = #map}]} {
    %mul3A = arith.constant 16 : i32
    %mul3A_0 = arith.muli %arg0, %mul3A : i32
    %add3A = arith.addi %mul3A_0, %arg1 : i32
    %mul3A_1 = arith.constant 640 : i32
    %mul3A_2 = arith.muli %arg1, %mul3A_1 : i32
    "tpu.region"() ({
      %run_scoped3A = tpu.sem_alloc : memref<!tpu.dma_semaphore, #tpu.memory_space<semaphore_mem>>
      %dma_start3A = arith.constant 0 : i32
      %dma_start3A_16 = tpu.memref_slice %arg10[%mul3A_2, %dma_start3A] : memref<10240x128xf32, #tpu.memory_space<vmem_shared>> -> memref<640x128xf32, #tpu.memory_space<vmem_shared>>
      tpu.enqueue_dma source(%arg5 : memref<640x128xf32, #tpu.memory_space<hbm>>) target(%dma_start3A_16 : memref<640x128xf32, #tpu.memory_space<vmem_shared>>) target_semaphore(%run_scoped3A : memref<!tpu.dma_semaphore, #tpu.memory_space<semaphore_mem>>)
      %dma_wait3A = arith.constant 0 : i32
      %dma_wait3A_17 = tpu.memref_slice %arg10[%mul3A_2, %dma_wait3A] : memref<10240x128xf32, #tpu.memory_space<vmem_shared>> -> memref<640x128xf32, #tpu.memory_space<vmem_shared>>
      tpu.wait_dma2 semaphore(%run_scoped3A : memref<!tpu.dma_semaphore, #tpu.memory_space<semaphore_mem>>) src(%arg5 : memref<640x128xf32, #tpu.memory_space<hbm>>) dst(%dma_wait3A_17 : memref<640x128xf32, #tpu.memory_space<vmem_shared>>)
      tpu.yield
    }) : () -> ()
    "tpu.region"() ({
      %run_scoped3A = tpu.sem_alloc : memref<!tpu.dma_semaphore, #tpu.memory_space<semaphore_mem>>
      %dma_start3A = arith.constant 0 : i32
      %dma_start3A_16 = arith.constant 0 : i32
      %dma_start3A_17 = tpu.memref_slice %arg3[%add3A, %dma_start3A, %dma_start3A_16] : memref<32x80x128xi32, #tpu.memory_space<hbm>> -> memref<1x80x128xi32, #tpu.memory_space<hbm>>
      %dma_start3A_18 = tpu.memref_squeeze %dma_start3A_17 : memref<1x80x128xi32, #tpu.memory_space<hbm>> -> memref<80x128xi32, #tpu.memory_space<hbm>>
      %dma_start3A_19 = arith.constant 0 : i32
      %dma_start3A_20 = arith.constant 0 : i32
      %dma_start3A_21 = tpu.memref_slice %arg3[%add3A, %dma_start3A_19, %dma_start3A_20] : memref<32x80x128xi32, #tpu.memory_space<hbm>> -> memref<1x80x128xi32, #tpu.memory_space<hbm>>
      %dma_start3A_22 = tpu.memref_squeeze %dma_start3A_21 : memref<1x80x128xi32, #tpu.memory_space<hbm>> -> memref<80x128xi32, #tpu.memory_space<hbm>>
      tpu.enqueue_dma source(%dma_start3A_22 : memref<80x128xi32, #tpu.memory_space<hbm>>) target(%arg7 : memref<80x128xi32, #tpu.memory_space<vmem>>) target_semaphore(%run_scoped3A : memref<!tpu.dma_semaphore, #tpu.memory_space<semaphore_mem>>)
      %dma_wait3A = arith.constant 0 : i32
      %dma_wait3A_23 = arith.constant 0 : i32
      %dma_wait3A_24 = tpu.memref_slice %arg3[%add3A, %dma_wait3A, %dma_wait3A_23] : memref<32x80x128xi32, #tpu.memory_space<hbm>> -> memref<1x80x128xi32, #tpu.memory_space<hbm>>
      %dma_wait3A_25 = tpu.memref_squeeze %dma_wait3A_24 : memref<1x80x128xi32, #tpu.memory_space<hbm>> -> memref<80x128xi32, #tpu.memory_space<hbm>>
      %dma_wait3A_26 = arith.constant 0 : i32
      %dma_wait3A_27 = arith.constant 0 : i32
      %dma_wait3A_28 = tpu.memref_slice %arg3[%add3A, %dma_wait3A_26, %dma_wait3A_27] : memref<32x80x128xi32, #tpu.memory_space<hbm>> -> memref<1x80x128xi32, #tpu.memory_space<hbm>>
      %dma_wait3A_29 = tpu.memref_squeeze %dma_wait3A_28 : memref<1x80x128xi32, #tpu.memory_space<hbm>> -> memref<80x128xi32, #tpu.memory_space<hbm>>
      tpu.wait_dma2 semaphore(%run_scoped3A : memref<!tpu.dma_semaphore, #tpu.memory_space<semaphore_mem>>) src(%dma_wait3A_29 : memref<80x128xi32, #tpu.memory_space<hbm>>) dst(%arg7 : memref<80x128xi32, #tpu.memory_space<vmem>>)
      tpu.yield
    }) : () -> ()
    "tpu.region"() ({
      %run_scoped3A = tpu.sem_alloc : memref<!tpu.dma_semaphore, #tpu.memory_space<semaphore_mem>>
      %dma_start3A = arith.constant 0 : i32
      %dma_start3A_16 = arith.constant 0 : i32
      %dma_start3A_17 = tpu.memref_slice %arg4[%add3A, %dma_start3A, %dma_start3A_16] : memref<32x80x128xi32, #tpu.memory_space<hbm>> -> memref<1x80x128xi32, #tpu.memory_space<hbm>>
      %dma_start3A_18 = tpu.memref_squeeze %dma_start3A_17 : memref<1x80x128xi32, #tpu.memory_space<hbm>> -> memref<80x128xi32, #tpu.memory_space<hbm>>
      %dma_start3A_19 = arith.constant 0 : i32
      %dma_start3A_20 = arith.constant 0 : i32
      %dma_start3A_21 = tpu.memref_slice %arg4[%add3A, %dma_start3A_19, %dma_start3A_20] : memref<32x80x128xi32, #tpu.memory_space<hbm>> -> memref<1x80x128xi32, #tpu.memory_space<hbm>>
      %dma_start3A_22 = tpu.memref_squeeze %dma_start3A_21 : memref<1x80x128xi32, #tpu.memory_space<hbm>> -> memref<80x128xi32, #tpu.memory_space<hbm>>
      tpu.enqueue_dma source(%dma_start3A_22 : memref<80x128xi32, #tpu.memory_space<hbm>>) target(%arg8 : memref<80x128xi32, #tpu.memory_space<vmem>>) target_semaphore(%run_scoped3A : memref<!tpu.dma_semaphore, #tpu.memory_space<semaphore_mem>>)
      %dma_wait3A = arith.constant 0 : i32
      %dma_wait3A_23 = arith.constant 0 : i32
      %dma_wait3A_24 = tpu.memref_slice %arg4[%add3A, %dma_wait3A, %dma_wait3A_23] : memref<32x80x128xi32, #tpu.memory_space<hbm>> -> memref<1x80x128xi32, #tpu.memory_space<hbm>>
      %dma_wait3A_25 = tpu.memref_squeeze %dma_wait3A_24 : memref<1x80x128xi32, #tpu.memory_space<hbm>> -> memref<80x128xi32, #tpu.memory_space<hbm>>
      %dma_wait3A_26 = arith.constant 0 : i32
      %dma_wait3A_27 = arith.constant 0 : i32
      %dma_wait3A_28 = tpu.memref_slice %arg4[%add3A, %dma_wait3A_26, %dma_wait3A_27] : memref<32x80x128xi32, #tpu.memory_space<hbm>> -> memref<1x80x128xi32, #tpu.memory_space<hbm>>
      %dma_wait3A_29 = tpu.memref_squeeze %dma_wait3A_28 : memref<1x80x128xi32, #tpu.memory_space<hbm>> -> memref<80x128xi32, #tpu.memory_space<hbm>>
      tpu.wait_dma2 semaphore(%run_scoped3A : memref<!tpu.dma_semaphore, #tpu.memory_space<semaphore_mem>>) src(%dma_wait3A_29 : memref<80x128xi32, #tpu.memory_space<hbm>>) dst(%arg8 : memref<80x128xi32, #tpu.memory_space<vmem>>)
      tpu.yield
    }) : () -> ()
    %barrier3A = arith.constant 0 : index
    tpu.barrier barrier_id(%barrier3A)
    %scan3A = arith.constant 0 : i32
    %scan3A_3 = arith.constant 0 : i32
    %scan3A_4 = arith.constant 80 : i32
    %scan3A_5 = arith.addi %scan3A_3, %scan3A_4 : i32
    %scan3A_6 = arith.constant 1 : i32
    scf.for %scan3A_16 = %scan3A_3 to %scan3A_5 step %scan3A_6  : i32 {
      "tpu.region"() ({
        %run_scoped3A = tpu.sem_alloc : memref<!tpu.dma_semaphore, #tpu.memory_space<semaphore_mem>>
        %dma_start3A = arith.constant 0 : i32
        %dma_start3A_17 = tpu.memref_slice %arg7[%scan3A_16, %dma_start3A] : memref<80x128xi32, #tpu.memory_space<vmem>> -> memref<1x128xi32, #tpu.memory_space<vmem>>
        %dma_start3A_18 = tpu.memref_squeeze %dma_start3A_17 : memref<1x128xi32, #tpu.memory_space<vmem>> -> memref<128xi32, #tpu.memory_space<vmem>>
        %dma_start3A_19 = arith.constant 0 : i32
        %dma_start3A_20 = arith.constant 0 : i32
        %dma_start3A_21 = tpu.memref_slice %arg2[%dma_start3A_19, %dma_start3A_20] : memref<10000x128xf32, #tpu.memory_space<hbm>> -> memref<10000x128xf32, #tpu.memory_space<hbm>>
        tpu.enqueue_indirect_dma source(%dma_start3A_21 : memref<10000x128xf32, #tpu.memory_space<hbm>>) target(%arg9 : memref<128x128xf32, #tpu.memory_space<vmem>>) offsets(%dma_start3A_18 : memref<128xi32, #tpu.memory_space<vmem>>) semaphore(%run_scoped3A : memref<!tpu.dma_semaphore, #tpu.memory_space<semaphore_mem>>)
        %dma_wait3A = arith.constant 0 : i32
        %dma_wait3A_22 = tpu.memref_slice %arg7[%scan3A_16, %dma_wait3A] : memref<80x128xi32, #tpu.memory_space<vmem>> -> memref<1x128xi32, #tpu.memory_space<vmem>>
        %dma_wait3A_23 = tpu.memref_squeeze %dma_wait3A_22 : memref<1x128xi32, #tpu.memory_space<vmem>> -> memref<128xi32, #tpu.memory_space<vmem>>
        %dma_wait3A_24 = arith.constant 0 : i32
        %dma_wait3A_25 = arith.constant 0 : i32
        %dma_wait3A_26 = tpu.memref_slice %arg2[%dma_wait3A_24, %dma_wait3A_25] : memref<10000x128xf32, #tpu.memory_space<hbm>> -> memref<10000x128xf32, #tpu.memory_space<hbm>>
        tpu.wait_indirect_dma semaphore(%run_scoped3A : memref<!tpu.dma_semaphore, #tpu.memory_space<semaphore_mem>>) src(%dma_wait3A_26 : memref<10000x128xf32, #tpu.memory_space<hbm>>) dst(%arg9 : memref<128x128xf32, #tpu.memory_space<vmem>>)
        tpu.yield
      }) : () -> ()
      "tpu.region"() ({
        %run_scoped3A = tpu.sem_alloc : memref<!tpu.dma_semaphore, #tpu.memory_space<semaphore_mem>>
        %dma_start3A = arith.constant 0 : i32
        %dma_start3A_17 = tpu.memref_slice %arg8[%scan3A_16, %dma_start3A] : memref<80x128xi32, #tpu.memory_space<vmem>> -> memref<1x128xi32, #tpu.memory_space<vmem>>
        %dma_start3A_18 = tpu.memref_squeeze %dma_start3A_17 : memref<1x128xi32, #tpu.memory_space<vmem>> -> memref<128xi32, #tpu.memory_space<vmem>>
        %dma_start3A_19 = arith.constant 0 : i32
        %dma_start3A_20 = arith.constant 0 : i32
        %dma_start3A_21 = tpu.memref_slice %arg10[%dma_start3A_19, %dma_start3A_20] : memref<10240x128xf32, #tpu.memory_space<vmem_shared>> -> memref<10240x128xf32, #tpu.memory_space<vmem_shared>>
        tpu.enqueue_indirect_dma source(%arg9 : memref<128x128xf32, #tpu.memory_space<vmem>>) target(%dma_start3A_21 : memref<10240x128xf32, #tpu.memory_space<vmem_shared>>) offsets(%dma_start3A_18 : memref<128xi32, #tpu.memory_space<vmem>>) semaphore(%run_scoped3A : memref<!tpu.dma_semaphore, #tpu.memory_space<semaphore_mem>>) {add = true}
        %dma_wait3A = arith.constant 0 : i32
        %dma_wait3A_22 = tpu.memref_slice %arg8[%scan3A_16, %dma_wait3A] : memref<80x128xi32, #tpu.memory_space<vmem>> -> memref<1x128xi32, #tpu.memory_space<vmem>>
        %dma_wait3A_23 = tpu.memref_squeeze %dma_wait3A_22 : memref<1x128xi32, #tpu.memory_space<vmem>> -> memref<128xi32, #tpu.memory_space<vmem>>
        %dma_wait3A_24 = arith.constant 0 : i32
        %dma_wait3A_25 = arith.constant 0 : i32
        %dma_wait3A_26 = tpu.memref_slice %arg10[%dma_wait3A_24, %dma_wait3A_25] : memref<10240x128xf32, #tpu.memory_space<vmem_shared>> -> memref<10240x128xf32, #tpu.memory_space<vmem_shared>>
        tpu.wait_indirect_dma semaphore(%run_scoped3A : memref<!tpu.dma_semaphore, #tpu.memory_space<semaphore_mem>>) src(%arg9 : memref<128x128xf32, #tpu.memory_space<vmem>>) dst(%dma_wait3A_26 : memref<10240x128xf32, #tpu.memory_space<vmem_shared>>)
        tpu.yield
      }) : () -> ()
    }
    %scan3A_7 = arith.constant 80 : i32
    %barrier3A_8 = arith.constant 0 : index
    tpu.barrier barrier_id(%barrier3A_8)
    %mul3A_9 = arith.constant 640 : i32
    %mul3A_10 = arith.muli %arg1, %mul3A_9 : i32
    %mul3A_11 = arith.constant 10240 : i32
    %mul3A_12 = arith.muli %arg0, %mul3A_11 : i32
    %mul3A_13 = arith.constant 640 : i32
    %mul3A_14 = arith.muli %arg1, %mul3A_13 : i32
    %add3A_15 = arith.addi %mul3A_12, %mul3A_14 : i32
    "tpu.region"() ({
      %run_scoped3A = tpu.sem_alloc : memref<!tpu.dma_semaphore, #tpu.memory_space<semaphore_mem>>
      %dma_start3A = arith.constant 0 : i32
      %dma_start3A_16 = tpu.memref_slice %arg6[%add3A_15, %dma_start3A] : memref<20480x128xf32, #tpu.memory_space<hbm>> -> memref<640x128xf32, #tpu.memory_space<hbm>>
      %dma_start3A_17 = arith.constant 0 : i32
      %dma_start3A_18 = tpu.memref_slice %arg10[%mul3A_10, %dma_start3A_17] : memref<10240x128xf32, #tpu.memory_space<vmem_shared>> -> memref<640x128xf32, #tpu.memory_space<vmem_shared>>
      tpu.enqueue_dma source(%dma_start3A_18 : memref<640x128xf32, #tpu.memory_space<vmem_shared>>) target(%dma_start3A_16 : memref<640x128xf32, #tpu.memory_space<hbm>>) target_semaphore(%run_scoped3A : memref<!tpu.dma_semaphore, #tpu.memory_space<semaphore_mem>>)
      %dma_wait3A = arith.constant 0 : i32
      %dma_wait3A_19 = tpu.memref_slice %arg6[%add3A_15, %dma_wait3A] : memref<20480x128xf32, #tpu.memory_space<hbm>> -> memref<640x128xf32, #tpu.memory_space<hbm>>
      %dma_wait3A_20 = arith.constant 0 : i32
      %dma_wait3A_21 = tpu.memref_slice %arg10[%mul3A_10, %dma_wait3A_20] : memref<10240x128xf32, #tpu.memory_space<vmem_shared>> -> memref<640x128xf32, #tpu.memory_space<vmem_shared>>
      tpu.wait_dma2 semaphore(%run_scoped3A : memref<!tpu.dma_semaphore, #tpu.memory_space<semaphore_mem>>) src(%dma_wait3A_21 : memref<640x128xf32, #tpu.memory_space<vmem_shared>>) dst(%dma_wait3A_19 : memref<640x128xf32, #tpu.memory_space<hbm>>)
      tpu.yield
    }) : () -> ()
    return
  }
}

module attributes {stable_mosaic.version = 14 : i64} {
  func.func @_tc_y1_body(%arg0: memref<2x10240xf32, #tpu.memory_space<vmem>>, %arg1: memref<10000x128xf32, #tpu.memory_space<vmem>>, %arg2: memref<128x64xf32, #tpu.memory_space<vmem>>, %arg3: memref<10000x128xf32, #tpu.memory_space<vmem>>) attributes {dimension_semantics = [], scalar_prefetch = 0 : i64, scratch_operands = 0 : i64, tpu.core_type = #tpu.core_type<tc>} {
    %get3A = arith.constant 0 : index
    %get3A_0 = arith.constant 0 : index
    %get3A_1 = vector.load %arg0[%get3A, %get3A_0] : memref<2x10240xf32, #tpu.memory_space<vmem>>, vector<2x10240xf32>
    %slice3A = vector.extract_strided_slice %get3A_1 {offsets = [0, 0], sizes = [1, 10000], strides = [1, 1]} : vector<2x10240xf32> to vector<1x10000xf32>
    %squeeze3A = vector.shape_cast %slice3A : vector<1x10000xf32> to vector<10000xf32>
    %slice3A_2 = vector.extract_strided_slice %get3A_1 {offsets = [1, 0], sizes = [1, 10000], strides = [1, 1]} : vector<2x10240xf32> to vector<1x10000xf32>
    %squeeze3A_3 = vector.shape_cast %slice3A_2 : vector<1x10000xf32> to vector<10000xf32>
    %add3A = arith.addf %squeeze3A, %squeeze3A_3 : vector<10000xf32>
    %add3A_4 = arith.constant 1.000000e+00 : f32
    %add3A_5 = vector.broadcast %add3A_4 : f32 to vector<10000xf32>
    %add3A_6 = arith.addf %add3A, %add3A_5 : vector<10000xf32>
    %rsqrt3A = math.rsqrt %add3A_6 : vector<10000xf32>
    %get3A_7 = arith.constant 0 : index
    %get3A_8 = arith.constant 0 : index
    %get3A_9 = vector.load %arg1[%get3A_7, %get3A_8] : memref<10000x128xf32, #tpu.memory_space<vmem>>, vector<10000x128xf32>
    %get3A_10 = arith.constant 0 : index
    %get3A_11 = arith.constant 0 : index
    %get3A_12 = vector.load %arg2[%get3A_10, %get3A_11] : memref<128x64xf32, #tpu.memory_space<vmem>>, vector<128x64xf32>
    %dot_general3A = arith.constant dense<0.000000e+00> : vector<10000x64xf32>
    %dot_general3A_13 = tpu.matmul %get3A_9, %get3A_12, %dot_general3A {dimension_numbers = #tpu.dot_dimension_numbers<[1], [0], [0], [1], [0, 0, 1, 1], [], []>, transpose_lhs_hint = false} : vector<10000x128xf32>, vector<128x64xf32>, vector<10000x64xf32> -> vector<10000x64xf32>
    %broadcast_in_dim3A = vector.shape_cast %rsqrt3A : vector<10000xf32> to vector<10000x1xf32>
    %mul3A = vector.broadcast %broadcast_in_dim3A : vector<10000x1xf32> to vector<10000x64xf32>
    %mul3A_14 = arith.mulf %dot_general3A_13, %mul3A : vector<10000x64xf32>
    %swap3A = arith.constant 0 : index
    %swap3A_15 = arith.constant 0 : index
    %swap3A_16 = vector.load %arg3[%swap3A, %swap3A_15] : memref<10000x128xf32, #tpu.memory_space<vmem>>, vector<10000x64xf32>
    tpu.vector_store %arg3[%swap3A, %swap3A_15], %mul3A_14 {strides = array<i32>} : memref<10000x128xf32, #tpu.memory_space<vmem>>, vector<10000x64xf32>,
    %broadcast_in_dim3A_17 = arith.constant 0.000000e+00 : f32
    %broadcast_in_dim3A_18 = vector.broadcast %broadcast_in_dim3A_17 : f32 to vector<10000x64xf32>
    %swap3A_19 = arith.constant 0 : index
    %swap3A_20 = arith.constant 64 : index
    %swap3A_21 = vector.load %arg3[%swap3A_19, %swap3A_20] : memref<10000x128xf32, #tpu.memory_space<vmem>>, vector<10000x64xf32>
    tpu.vector_store %arg3[%swap3A_19, %swap3A_20], %broadcast_in_dim3A_18 {strides = array<i32>} : memref<10000x128xf32, #tpu.memory_space<vmem>>, vector<10000x64xf32>,
    return
  }
}

module attributes {stable_mosaic.version = 14 : i64} {
  func.func @_tc_hz_body(%arg0: memref<2x10240xf32, #tpu.memory_space<vmem>>, %arg1: memref<2x10240x128xf32, #tpu.memory_space<vmem>>, %arg2: memref<10000x128xf32, #tpu.memory_space<vmem>>, %arg3: memref<64xf32, #tpu.memory_space<vmem>>, %arg4: memref<64x1xf32, #tpu.memory_space<vmem>>, %arg5: memref<10000x1xf32, #tpu.memory_space<vmem>>) attributes {dimension_semantics = [], scalar_prefetch = 0 : i64, scratch_operands = 0 : i64, tpu.core_type = #tpu.core_type<tc>} {
    %get3A = arith.constant 0 : index
    %get3A_0 = arith.constant 0 : index
    %get3A_1 = vector.load %arg0[%get3A, %get3A_0] : memref<2x10240xf32, #tpu.memory_space<vmem>>, vector<2x10240xf32>
    %slice3A = vector.extract_strided_slice %get3A_1 {offsets = [0, 0], sizes = [1, 10000], strides = [1, 1]} : vector<2x10240xf32> to vector<1x10000xf32>
    %squeeze3A = vector.shape_cast %slice3A : vector<1x10000xf32> to vector<10000xf32>
    %slice3A_2 = vector.extract_strided_slice %get3A_1 {offsets = [1, 0], sizes = [1, 10000], strides = [1, 1]} : vector<2x10240xf32> to vector<1x10000xf32>
    %squeeze3A_3 = vector.shape_cast %slice3A_2 : vector<1x10000xf32> to vector<10000xf32>
    %add3A = arith.addf %squeeze3A, %squeeze3A_3 : vector<10000xf32>
    %add3A_4 = arith.constant 1.000000e+00 : f32
    %add3A_5 = vector.broadcast %add3A_4 : f32 to vector<10000xf32>
    %add3A_6 = arith.addf %add3A, %add3A_5 : vector<10000xf32>
    %rsqrt3A = math.rsqrt %add3A_6 : vector<10000xf32>
    %get3A_7 = arith.constant 0 : index
    %get3A_8 = arith.constant 0 : index
    %get3A_9 = arith.constant 0 : index
    %get3A_10 = vector.load %arg1[%get3A_7, %get3A_8, %get3A_9] : memref<2x10240x128xf32, #tpu.memory_space<vmem>>, vector<1x10000x64xf32>
    %get3A_11 = vector.shape_cast %get3A_10 : vector<1x10000x64xf32> to vector<10000x64xf32>
    %get3A_12 = arith.constant 1 : index
    %get3A_13 = arith.constant 0 : index
    %get3A_14 = arith.constant 0 : index
    %get3A_15 = vector.load %arg1[%get3A_12, %get3A_13, %get3A_14] : memref<2x10240x128xf32, #tpu.memory_space<vmem>>, vector<1x10000x64xf32>
    %get3A_16 = vector.shape_cast %get3A_15 : vector<1x10000x64xf32> to vector<10000x64xf32>
    %add3A_17 = arith.addf %get3A_11, %get3A_16 : vector<10000x64xf32>
    %get3A_18 = arith.constant 0 : index
    %get3A_19 = arith.constant 0 : index
    %get3A_20 = vector.load %arg2[%get3A_18, %get3A_19] : memref<10000x128xf32, #tpu.memory_space<vmem>>, vector<10000x64xf32>
    %add3A_21 = arith.addf %add3A_17, %get3A_20 : vector<10000x64xf32>
    %broadcast_in_dim3A = vector.shape_cast %rsqrt3A : vector<10000xf32> to vector<10000x1xf32>
    %mul3A = vector.broadcast %broadcast_in_dim3A : vector<10000x1xf32> to vector<10000x64xf32>
    %mul3A_22 = arith.mulf %add3A_21, %mul3A : vector<10000x64xf32>
    %get3A_23 = arith.constant 0 : index
    %get3A_24 = vector.load %arg3[%get3A_23] : memref<64xf32, #tpu.memory_space<vmem>>, vector<64xf32>
    %broadcast_in_dim3A_25 = vector.shape_cast %get3A_24 : vector<64xf32> to vector<1x64xf32>
    %add3A_26 = vector.broadcast %broadcast_in_dim3A_25 : vector<1x64xf32> to vector<10000x64xf32>
    %add3A_27 = arith.addf %mul3A_22, %add3A_26 : vector<10000x64xf32>
    %max3A = arith.constant 0.000000e+00 : f32
    %max3A_28 = vector.broadcast %max3A : f32 to vector<10000x64xf32>
    %max3A_29 = arith.maximumf %add3A_27, %max3A_28 : vector<10000x64xf32>
    %get3A_30 = arith.constant 0 : index
    %get3A_31 = arith.constant 0 : index
    %get3A_32 = vector.load %arg4[%get3A_30, %get3A_31] : memref<64x1xf32, #tpu.memory_space<vmem>>, vector<64x1xf32>
    %squeeze3A_33 = vector.shape_cast %get3A_32 : vector<64x1xf32> to vector<64xf32>
    %broadcast_in_dim3A_34 = vector.shape_cast %squeeze3A_33 : vector<64xf32> to vector<1x64xf32>
    %mul3A_35 = vector.broadcast %broadcast_in_dim3A_34 : vector<1x64xf32> to vector<10000x64xf32>
    %mul3A_36 = arith.mulf %max3A_29, %mul3A_35 : vector<10000x64xf32>
    %reduce_sum3A = arith.constant dense<0.000000e+00> : vector<10000xf32>
    %reduce_sum3A_37 = vector.multi_reduction <add>, %mul3A_36, %reduce_sum3A [1] : vector<10000x64xf32> to vector<10000xf32>
    %mul3A_38 = arith.mulf %reduce_sum3A_37, %rsqrt3A : vector<10000xf32>
    %broadcast_in_dim3A_39 = vector.shape_cast %mul3A_38 : vector<10000xf32> to vector<10000x1xf32>
    %swap3A = arith.constant 0 : index
    %swap3A_40 = arith.constant 0 : index
    %swap3A_41 = vector.load %arg5[%swap3A, %swap3A_40] : memref<10000x1xf32, #tpu.memory_space<vmem>>, vector<10000x1xf32>
    tpu.vector_store %arg5[%swap3A, %swap3A_40], %broadcast_in_dim3A_39 {strides = array<i32>} : memref<10000x1xf32, #tpu.memory_space<vmem>>, vector<10000x1xf32>,
    return
  }
}

module attributes {stable_mosaic.version = 14 : i64} {
  func.func @_tc_out_body(%arg0: memref<2x10240xf32, #tpu.memory_space<vmem>>, %arg1: memref<2x10240xf32, #tpu.memory_space<vmem>>, %arg2: memref<10000x1xf32, #tpu.memory_space<vmem>>, %arg3: memref<1xf32, #tpu.memory_space<vmem>>, %arg4: memref<10000x1xf32, #tpu.memory_space<vmem>>) attributes {dimension_semantics = [], scalar_prefetch = 0 : i64, scratch_operands = 0 : i64, tpu.core_type = #tpu.core_type<tc>} {
    %get3A = arith.constant 0 : index
    %get3A_0 = arith.constant 0 : index
    %get3A_1 = vector.load %arg0[%get3A, %get3A_0] : memref<2x10240xf32, #tpu.memory_space<vmem>>, vector<2x10240xf32>
    %slice3A = vector.extract_strided_slice %get3A_1 {offsets = [0, 0], sizes = [1, 10000], strides = [1, 1]} : vector<2x10240xf32> to vector<1x10000xf32>
    %squeeze3A = vector.shape_cast %slice3A : vector<1x10000xf32> to vector<10000xf32>
    %slice3A_2 = vector.extract_strided_slice %get3A_1 {offsets = [1, 0], sizes = [1, 10000], strides = [1, 1]} : vector<2x10240xf32> to vector<1x10000xf32>
    %squeeze3A_3 = vector.shape_cast %slice3A_2 : vector<1x10000xf32> to vector<10000xf32>
    %add3A = arith.addf %squeeze3A, %squeeze3A_3 : vector<10000xf32>
    %add3A_4 = arith.constant 1.000000e+00 : f32
    %add3A_5 = vector.broadcast %add3A_4 : f32 to vector<10000xf32>
    %add3A_6 = arith.addf %add3A, %add3A_5 : vector<10000xf32>
    %rsqrt3A = math.rsqrt %add3A_6 : vector<10000xf32>
    %get3A_7 = arith.constant 0 : index
    %get3A_8 = arith.constant 0 : index
    %get3A_9 = vector.load %arg1[%get3A_7, %get3A_8] : memref<2x10240xf32, #tpu.memory_space<vmem>>, vector<1x10000xf32>
    %get3A_10 = vector.shape_cast %get3A_9 : vector<1x10000xf32> to vector<10000xf32>
    %get3A_11 = arith.constant 1 : index
    %get3A_12 = arith.constant 0 : index
    %get3A_13 = vector.load %arg1[%get3A_11, %get3A_12] : memref<2x10240xf32, #tpu.memory_space<vmem>>, vector<1x10000xf32>
    %get3A_14 = vector.shape_cast %get3A_13 : vector<1x10000xf32> to vector<10000xf32>
    %add3A_15 = arith.addf %get3A_10, %get3A_14 : vector<10000xf32>
    %get3A_16 = arith.constant 0 : index
    %get3A_17 = arith.constant 0 : index
    %get3A_18 = vector.load %arg2[%get3A_16, %get3A_17] : memref<10000x1xf32, #tpu.memory_space<vmem>>, vector<10000x1xf32>
    %squeeze3A_19 = vector.shape_cast %get3A_18 : vector<10000x1xf32> to vector<10000xf32>
    %add3A_20 = arith.addf %add3A_15, %squeeze3A_19 : vector<10000xf32>
    %mul3A = arith.mulf %rsqrt3A, %add3A_20 : vector<10000xf32>
    %get3A_21 = arith.constant 0 : index
    %get3A_22 = vector.load %arg3[%get3A_21] : memref<1xf32, #tpu.memory_space<vmem>>, vector<1xf32>
    %add3A_23 = vector.broadcast %get3A_22 : vector<1xf32> to vector<10000xf32>
    %add3A_24 = arith.addf %mul3A, %add3A_23 : vector<10000xf32>
    %broadcast_in_dim3A = vector.shape_cast %add3A_24 : vector<10000xf32> to vector<10000x1xf32>
    %swap3A = arith.constant 0 : index
    %swap3A_25 = arith.constant 0 : index
    %swap3A_26 = vector.load %arg4[%swap3A, %swap3A_25] : memref<10000x1xf32, #tpu.memory_space<vmem>>, vector<10000x1xf32>
    tpu.vector_store %arg4[%swap3A, %swap3A_25], %broadcast_in_dim3A {strides = array<i32>} : memref<10000x1xf32, #tpu.memory_space<vmem>>, vector<10000x1xf32>,
    return
  }
}

</mosaic_0001>

<sc_bundles>
// kernel: kernel.11.cloned.1.call-start
scs
__scs_entry_jumppad:
0x0: {  	(pc) =	sbr.rel $0x88, $3  }
0x1: {  	(tag) =	ssettag $0x0;
	lr =	simm.s32 $0x1  }
0x2: {  	[smem:$0x3F9B] =	sst lr;
	_ =	strace $0xD0000000  }
0x3: {  	_ = 	snop  }
0x4: {  	_ = 	snop  }
0x5: {  	_ = 	snop  }
0x6: {  	_ = 	snop  }
0x7: {  	_ = 	snop  }
__scs_overlays_trampoline_lowered:
0x8: {  	[smem:$0x3FAA] =	sst s0  }
0x9: {  	[smem:$0x3FAB] =	sst s1  }
0xa: {  	[smem:$0x3FAC] =	sst s2  }
0xb: {  	[smem:$0x3FAD] =	sst s3  }
0xc: {  	[smem:$0x3FAE] =	sst s4  }
0xd: {  	[smem:$0x3FAF] =	sst s5  }
0xe: {  	[smem:$0x3FB0] =	sst s6  }
0xf: {  	[smem:$0x3FB1] =	sst s7  }
0x10: {  	[smem:$0x3FB2] =	sst s8  }
0x11: {  	[smem:$0x3FB3] =	sst s9;
	s0 =	simm.s32 @!p0 $0x0  }
0x12: {  	s1 =	sld [smem:$0x3F99];
	s0 =	simm.s32 @p0 $0x1  }
0x13: {  	[smem:$0x3FB4] =	sst s0;
	s0 =	simm.s32 @!p1 $0x0  }
0x14: {  	s2 =	sld [smem:$0x3F98];
	s0 =	simm.s32 @p1 $0x1  }
0x15: {  	[smem:$0x3FB5] =	sst s0;
	s0 =	simm.s32 @!p2 $0x0  }
0x16: {  	s3 =	sld [smem:$0x3FDB];
	s0 =	simm.s32 @p2 $0x1  }
0x17: {  	s4 =	simm.s32 $0x1BF5;
	[smem:$0x3FB7] =	sst s0  }
0x18: {  	s0 =	sld [smem:$0x3F9A];
	_ =	swait.ge [sflag:s4], $0x0  }
0x19: {  	s7 =	sld [smem:$0x3F9B]  }
0x1a: {  	s8 =	sadd.s32 $0xFFFFE003, lr  }
0x1b: {  	s9 =	sadd.s32 $0xFFFFFEF7, lr;
	s5 =	simm.s32 $0xFFFFFFFF;
	p2 =	slt.u32 s8, $0xFFFFF086  }
0x1c: {  	p1 =	slt.u32 s9, $0xF7A;
	s5 =	simm.s32 @!p2 $0x0  }
0x1d: {  	s5 =	simm.s32 @p1 $0x1;
	p0 =	seq.s32 s7, s2  }
0x1e: {  	s7 =	smul.u32 @!p0 $0xF7A, s2;
	p2 =	seq.s32 @!p0 s5, $0x0  }
0x1f: {  	s9 =	smul.u32 $0xF7A, s1;
	s8 =	simm.s32 @!p0 $0x1BF5;
	p2 =	por !p2, p0  }
0x20: {  	[sflag:s8] =	ssyncset.s32 @!p0 $0xFFFFF086;
	s6 =	sadd.s32 @!p0 s3, s7;
	s7 =	simm.s32 @!p0 $0x108  }
0x21: {  	s3 =	sadd.s32 s3, s9;
	s6 =	sadd.s32 @!p0 $0x88, s6;
	s7 =	simm.s32 @p2 $0x1082  }
0x22: {  	[simem:s7], [sflag:s8] =	dma.local @!p0 [hbm:s6], $0xF7A  }
0x23: {  	s9 =	sor.u32 $0xD0000000, s2;
	s6 =	simm.s32 $0x108;
	_ =	swait.ge @!p0 [sflag:s8], $0x0  }
0x24: {  	s3 =	sadd.s32 $0x88, s3;
	s6 =	simm.s32 @!p1 $0x1082;
	[sflag:s4] =	ssyncset.s32 $0xFFFFF086  }
0x25: {  	[simem:s6], [sflag:s4] =	dma.local [hbm:s3], $0xF7A  }
0x26: {  	[smem:$0x3F9B] =	sst s1;
	(tag) =	ssettag s2;
	_ =	strace s9  }
0x27: {  	s1 =	sld [smem:$0x3FAB]  }
0x28: {  	s2 =	sld [smem:$0x3FAC]  }
0x29: {  	s4 =	sld [smem:$0x3FAE]  }
0x2a: {  	p0 =	seq.s32 s5, $0x0;
	s5 =	sld [smem:$0x3FAF]  }
0x2b: {  	s6 =	sld [smem:$0x3FB0]  }
0x2c: {  	s7 =	sld [smem:$0x3FB1]  }
0x2d: {  	s3 =	simm.s32 $0x108;
	s8 =	sld [smem:$0x3FB2]  }
0x2e: {  	s3 =	simm.s32 @!p0 $0x1082;
	s9 =	sld [smem:$0x3FB3]  }
0x2f: {  	lr =	sadd.s32 s0, s3;
	s0 =	sld [smem:$0x3FAA]  }
0x30: {  	s3 =	sld [smem:$0x3FAD]  }
0x31: {  	[smem:$0x3FB6] =	sst s10  }
0x32: {  	s10 =	sld [smem:$0x3FB4];
	_ =	sdelay $0x3  }
0x33: {  	p0 =	seq.s32 s10, $0x1;
	s10 =	sld [smem:$0x3FB6];
	_ =	sdelay $0x3  }
0x34: {  	[smem:$0x3FB6] =	sst s10  }
0x35: {  	s10 =	sld [smem:$0x3FB5];
	_ =	sdelay $0x3  }
0x36: {  	p1 =	seq.s32 s10, $0x1;
	s10 =	sld [smem:$0x3FB6];
	_ =	sdelay $0x3  }
0x37: {  	[smem:$0x3FB6] =	sst s10  }
0x38: {  	s10 =	sld [smem:$0x3FB7]  }
0x39: {  	_ = 	snop;
	(pc) =	sbr.ind lr, $3  }
0x3a: {  	_ = 	snop  }
0x3b: {  	_ = 	snop  }
0x3c: {  	p2 =	seq.s32 s10, $0x1;
	s10 =	sld [smem:$0x3FB6]  }
0x3d: {  	_ =	shalt  }
0x3e: {  	_ =	shalt  }
0x3f: {  	_ =	shalt  }
0x40: {  	_ =	shalt  }
0x41: {  	_ =	shalt  }
0x42: {  	_ =	shalt  }
0x43: {  	_ =	shalt  }
0x44: {  	_ =	shalt  }
0x45: {  	_ =	shalt  }
0x46: {  	_ =	shalt  }
0x47: {  	_ =	shalt  }
0x48: {  	_ =	shalt  }
0x49: {  	_ =	shalt  }
0x4a: {  	_ =	shalt  }
0x4b: {  	_ =	shalt  }
0x4c: {  	_ =	shalt  }
0x4d: {  	_ =	shalt  }
0x4e: {  	_ =	shalt  }
0x4f: {  	_ =	shalt  }
0x50: {  	_ =	shalt  }
0x51: {  	_ =	shalt  }
0x52: {  	_ =	shalt  }
0x53: {  	_ =	shalt  }
0x54: {  	_ =	shalt  }
0x55: {  	_ =	shalt  }
0x56: {  	_ =	shalt  }
0x57: {  	_ =	shalt  }
0x58: {  	_ =	shalt  }
0x59: {  	_ =	shalt  }
0x5a: {  	_ =	shalt  }
0x5b: {  	_ =	shalt  }
0x5c: {  	_ =	shalt  }
0x5d: {  	_ =	shalt  }
0x5e: {  	_ =	shalt  }
0x5f: {  	_ =	shalt  }
0x60: {  	_ =	shalt  }
0x61: {  	_ =	shalt  }
0x62: {  	_ =	shalt  }
0x63: {  	_ =	shalt  }
0x64: {  	_ =	shalt  }
0x65: {  	_ =	shalt  }
0x66: {  	_ =	shalt  }
0x67: {  	_ =	shalt  }
0x68: {  	_ =	shalt  }
0x69: {  	_ =	shalt  }
0x6a: {  	_ =	shalt  }
0x6b: {  	_ =	shalt  }
0x6c: {  	_ =	shalt  }
0x6d: {  	_ =	shalt  }
0x6e: {  	_ =	shalt  }
0x6f: {  	_ =	shalt  }
0x70: {  	_ =	shalt  }
0x71: {  	_ =	shalt  }
0x72: {  	_ =	shalt  }
0x73: {  	_ =	shalt  }
0x74: {  	_ =	shalt  }
0x75: {  	_ =	shalt  }
0x76: {  	_ =	shalt  }
0x77: {  	_ =	shalt  }
0x78: {  	_ =	shalt  }
0x79: {  	_ =	shalt  }
0x7a: {  	_ =	shalt  }
0x7b: {  	_ =	shalt  }
0x7c: {  	_ =	shalt  }
0x7d: {  	_ =	shalt  }
0x7e: {  	_ =	shalt  }
0x7f: {  	_ =	shalt  }
0x80: {  	_ =	shalt  }
0x81: {  	_ =	shalt  }
0x82: {  	_ =	shalt  }
0x83: {  	_ =	shalt  }
0x84: {  	_ =	shalt  }
0x85: {  	_ =	shalt  }
0x86: {  	_ =	shalt  }
0x87: {  	_ =	shalt  }
.Lfunc_end0:
.L_simem_size_0:
called_computation.1_lowered:
.L_overlay_start_0:
0x88: {  	s2 =	sld [smem:$0x3FD9]  }
0x89: {  	s3 =	sld [smem:$0x3FFE];
	_ =	sdelay $0x1  }
0x8a: {  	s1 =	srdreg.scid  }
0x8b: {  	s0 =	sand.u32 $0x1, s1  }
0x8c: {  	s16 =	sshll.u32 s0, $0xA;
	s2 =	sadd.s32 s3, s2  }
0x8d: {  	s2 =	sadd.s32 s2, s16  }
0x8e: {  	[smem:$0x3FC2] =	sst s2  }
0x8f: {  	_ = 	snop  }
0x90: {  	(tm) =	ssettm $0x1  }
0x91: {  	s17 =	sld [smem:$0x3FFB];
	_ =	sdelay $0x3  }
0x92: {  	_ =	strace s17  }
0x93: {  	s2 =	sld [smem:$0x3FFC];
	_ =	sdelay $0x3  }
0x94: {  	_ =	strace s2  }
0x95: {  	s2 =	sld [smem:$0x3FFD];
	_ =	sdelay $0x3  }
0x96: {  	_ =	strace s2  }
0x97: {  	_ =	strace $0x8FFFFFFF  }
0x98: {  	s18 =	sld [smem:$0x3FDB];
	_ =	sdelay $0x1  }
0x99: {  	s19 =	simm.s32 $_scs_section_size  }
0x9a: {  	s4 =	simm.s32 $_size__tile_overlayer_lowered;
	s5 =	simm.s32 $_tile_overlayer_lowered  }
0x9b: {  	s22 =	simm.s32 $0x1BFF;
	s21 =	sshll.u32 s5, $0x1;
	s2 =	sadd.s32 s19, s18  }
0x9c: {  	s6 =	simm.s32 $0x0;
	s20 =	sshll.u32 s4, $0x1;
	s4 =	sadd.s32 s21, s2  }
0x9d: {  	[timem:s6], [sflag:s22] =	dma.local [hbm:s4], s20  }
0x9e: {  	_ =	swait.ge [sflag:s22], s20  }
0x9f: {  	s3 =	ssub.s32 $0x0, s20;
	[sflag:s22] =	ssyncset.done $0x0  }
0xa0: {  	[sflag:s22] =	ssyncadd.s32 s3;
	_ =	sdelay $0x1  }
0xa1: {  	s23 =	simm.s32 $0x1B8B  }
0xa2: {  	_ =	swait.ge [sflag:s23], $0x1  }
0xa3: {  	[sflag:s23] =	ssyncset.done $0x0  }
0xa4: {  	s25 =	simm.s32 $0x1B8E;
	s24 =	sld [smem:$0x3FFE];
	[sflag:s23] =	ssyncadd.s32 $0xFFFFFFFF  }
0xa5: {  	s26 =	simm.s32 $execute0_lowered;
	[smem:$0x3FD2] =	sst s25  }
0xa6: {  	s4 =	sshll.u32 s26, $0x1;
	_ =	strace $0x80000049;
	[dreg:$0x1] =	wrdreg $0xFFFFFFFF  }
0xa7: {  	s28 =	simm.s32 $_size_execute0_lowered;
	s2 =	sadd.s32 s2, s4;
	[dreg:$0x0] =	wrdreg $0x0  }
0xa8: {  	s4 =	sshll.u32 s28, $0x1;
	[dreg:$0x2] =	wrdreg s2  }
0xa9: {  	[dreg:$0x3] =	wrdreg s4  }
0xaa: {  	[dreg:$0x4] =	wrdreg $0xC0  }
0xab: {  	_ =	task [dreg:s6], $0x5FFFF  }
0xac: {  	[dreg:$0x1] =	wrdreg $0xFFFFFFFF  }
0xad: {  	[dreg:$0x0] =	wrdreg $0x60  }
0xae: {  	[dreg:$0x2] =	wrdreg s24  }
0xaf: {  	[dreg:$0x3] =	wrdreg $0x90000  }
0xb0: {  	[dreg:$0x4] =	wrdreg $0x9  }
0xb1: {  	_ =	task.clear_ibuf [dreg:s6], $0x5FFFF;
	_ =	strace $0x90000049  }
0xb2: {  	s29 =	simm.s32 $0x9;
	_ =	strace $0x8000004B  }
0xb3: {  	_ =	swait.ge [sflag:s29], $0x1  }
0xb4: {  	[sflag:s29] =	ssyncadd.s32 $0xFFFFFFFF  }
0xb5: {  	_ =	strace $0x9000004B  }
0xb6: {  	_ =	sfence  }
0xb7: {  	s30 =	sld [smem:$0x0];
	_ =	sdelay $0x2  }
0xb8: {  	s31 =	sshll.u32 s1, $0xD;
	s1 =	sshrl.u32 s1, $0x2  }
0xb9: {  	s3 =	sand.u32 $0x4000, s31;
	s1 =	sadd.s32 s1, s30  }
0xba: {  	s0 =	sor.u32 s3, s0;
	s1 =	sshll.u32 s1, $0x11  }
0xbb: {  	s0 =	sor.u32 s1, s0  }
0xbc: {  	s0 =	sadd.s32 $0x8F2B, s0  }
0xbd: {  	[sflag:s0] =	ssyncadd.remote.s32 $0x1  }
0xbe: {  	_ =	sfence.sel $0xFFFF  }
0xbf: {  	[dreg:$0x0] =	wrdreg $0xFFFFFFFF;
	(pc) =	sbr.abs _section_cstart, $3  }
0xc0: {  	[dreg:$0x1] =	wrdreg $0xFFFFFFFF  }
0xc1: {  	_ =	task.clear_ibuf [dreg:s6], $0x2FFFF;
	_ =	strace $0x9FFFFFFF  }
0xc2: {  	(tm) =	ssettm $0x7FFFFFFF  }
0xc3: {  	_ =	shalt  }
tec
execute0_lowered:
.L_overlay_start_1:
0x0: {  	(tag) =	ssettag $0x1  }
0x1: {  	s6 =	rddreg [dreg:$0x0]  }
0x2: {  	s0 =	srdreg.scid;
	s2 =	rddreg [dreg:$0x1];
	s3 =	simm.s32 $0x0  }
0x3: {  	s14 =	simm.s32 $0x80;
	s5 =	sand.u32 $0x1, s0;
	s0 =	stileid.u32  }
0x4: {  	s15 =	simm.s32 $0x5000;
	s16 =	simm.s32 $0x0;
	s8 =	smul.u32 $0x2800, s0  }
0x5: {  	[smem:$0x7FF] =	sst s3;
	s4 =	sadd.s32 $0x15A00, s6;
	s9 =	smul.u32 $0x28000, s5  }
0x6: {  	s1 =	sshll.u32 s5, $0x4;
	s26 =	ssub.s32 $0x2, s5;
	s28 =	smul.u32 $0x50000, s0  }
0x7: {  	s5 =	sadd.s32 $0x3CC00, s6;
	s31 =	sshll.u32 s0, $0x6;
	s1 =	sor.u32 s0, s1  }
0x8: {  	s29 =	sshrl.u32 s26, $0x1;
	s7 =	smul.u32 $0x500, s1;
	s1 =	rddreg [dreg:$0x2]  }
0x9: {  	_ =	strace $0x8000004A;
	s25 =	sadd.s32 s8, s9;
	s30 =	sshrl.u32 s28, $0x2  }
0xa: {  	s12 =	ssub.s32 s26, s29;
	s11 =	sadd.s32 s25, s6;
	s13 =	sadd.s32 s30, s2  }
0xb: {  	s10 =	sadd.s32 s7, s6;
	s6 =	sor.u32 $0x1C01, s31;
	s9 =	sadd.s32 $0x3F400, s11  }
0xc: {  	s11 =	sshrl.u32 s13, $0x3;
	s13 =	simm.s32 $0x2800;
	s7 =	sadd.s32 $0xBA00, s10  }
0xd: {  	s8 =	sadd.s32 $0x1A00, s10;
	s10 =	smax.u32 s12, $0x1;
	s12 =	simm.s32 $0x1  }
.LBB2_1:
0xe: {  	[spmem:s11], [sflag:s6] =	dma.local [hbm:s5], $0x2800  }
0xf: {  	_ =	swait.ge [sflag:s12], $0x2800  }
0x10: {  	[sflag:s12] =	ssyncset.done $0x0  }
0x11: {  	[sflag:s12] =	ssyncadd.s32 $0xFFFFD800  }
0x12: {  	[tilespmem:s3], [sflag:$0x1] =	stream.linear.gather [hbm4b:s7+s3], $0x2800, $0x38;
	[tilespmem:$0x1D000] =	vst v63  }
0x13: {  	_ =	swait.ge [sflag:s12], $0x2800  }
0x14: {  	[sflag:s12] =	ssyncset.done $0x0  }
0x15: {  	[sflag:s12] =	ssyncadd.s32 $0xFFFFD800  }
0x16: {  	[tilespmem:s13], [sflag:$0x1] =	stream.linear.gather [hbm4b:s8+s3], $0x2800, $0x38;
	[tilespmem:$0x1D000] =	vst v63  }
0x17: {  	_ =	swait.ge [sflag:s12], $0x2800  }
0x18: {  	[sflag:s12] =	ssyncset.done $0x0  }
0x19: {  	[sflag:s12] =	ssyncadd.s32 $0xFFFFD800  }
0x1a: {  	s17 =	simm.s32 $0x0;
	[bflag:$0x0] =	sbarrier.arrive $0xFFFF  }
0x1b: {  	[tilespmem:s15], [sflag:$0x1] =	stream.indirect.gather [hbm4b:s4+s14], $0x80, s17, s14, $0xb8;
	[tilespmem:$0x1D000] =	vst v63  }
0x1c: {  	_ =	swait.ge [sflag:s12], $0x4000  }
0x1d: {  	[sflag:s12] =	ssyncset.done $0x0  }
0x1e: {  	s31 =	simm.s32 $0x2800;
	[sflag:s12] =	ssyncadd.s32 $0xFFFFC000  }
0x1f: {  	[spmem:s2] =	stream.indirect.scatter.add.f32 [tilespmem:s15], [sflag:$0x1], $0x80, s31, s14, $0xb8;
	[tilespmem:$0x1D000] =	vst v63  }
0x20: {  	_ =	swait.ge [sflag:s12], $0x4000  }
0x21: {  	s18 =	simm.s32 $0x400;
	s17 =	simm.s32 $0x200;
	[sflag:s12] =	ssyncset.done $0x0  }
.LBB2_2:
0x22: {  	s19 =	sshra.s32 s17, $0x2  }
0x23: {  	[sflag:s12] =	ssyncadd.s32 $0xFFFFC000;
	s17 =	smov.u32 s18;
	s20 =	sadd.s32 $0x200, s18  }
0x24: {  	[tilespmem:s15], [sflag:$0x1] =	stream.indirect.gather [hbm4b:s4+s14], $0x80, s19, s14, $0xb8;
	[tilespmem:$0x1D000] =	vst v63  }
0x25: {  	p0 =	sne.s32 s18, $0x9E00;
	_ =	swait.ge [sflag:s12], $0x4000  }
.Ltmp0:
0x26: {  	[sflag:s12] =	ssyncset.done $0x0;
	(pc) =	sbr.rel @p0 .LBB2_2-.Ltmp0, $4  }
0x27: {  	s18 =	sadd.s32 $0x2800, s19;
	[sflag:s12] =	ssyncadd.s32 $0xFFFFC000  }
0x28: {  	[spmem:s2] =	stream.indirect.scatter.add.f32 [tilespmem:s15], [sflag:$0x1], $0x80, s18, s14, $0xb8;
	[tilespmem:$0x1D000] =	vst v63  }
0x29: {  	_ =	swait.ge [sflag:s12], $0x4000  }
0x2a: {  	s18 =	smov.u32 s20;
	[sflag:s12] =	ssyncset.done $0x0  }
0x2b: {  	s17 =	sshra.s32 s17, $0x2;
	[sflag:s12] =	ssyncadd.s32 $0xFFFFC000  }
0x2c: {  	[tilespmem:s15], [sflag:$0x1] =	stream.indirect.gather [hbm4b:s4+s14], $0x80, s17, s14, $0xb8;
	[tilespmem:$0x1D000] =	vst v63  }
0x2d: {  	_ =	swait.ge [sflag:s12], $0x4000  }
0x2e: {  	[sflag:s12] =	ssyncset.done $0x0  }
0x2f: {  	s17 =	sadd.s32 $0x2800, s17;
	[sflag:s12] =	ssyncadd.s32 $0xFFFFC000  }
0x30: {  	[spmem:s2] =	stream.indirect.scatter.add.f32 [tilespmem:s15], [sflag:$0x1], $0x80, s17, s14, $0xb8;
	[tilespmem:$0x1D000] =	vst v63  }
0x31: {  	_ =	swait.ge [sflag:s12], $0x4000  }
0x32: {  	s16 =	sadd.s32 $0x1, s16;
	[sflag:s12] =	ssyncset.done $0x0  }
0x33: {  	p0 =	sne.s32 s16, s10;
	[sflag:s12] =	ssyncadd.s32 $0xFFFFC000  }
.Ltmp1:
0x34: {  	[bflag:$0x0] =	sbarrier.arrive $0xFFFF;
	(pc) =	sbr.rel @p0 .LBB2_1-.Ltmp1, $4  }
0x35: {  	[hbm:s9], [sflag:s6] =	dma.local [spmem:s11], $0x2800  }
0x36: {  	_ =	swait.ge [sflag:s12], $0x2800  }
0x37: {  	[sflag:s12] =	ssyncset.done $0x0  }
0x38: {  	[sflag:s12] =	ssyncadd.s32 $0xFFFFD800  }
0x39: {  	_ =	sfence.sel $0x180000  }
0x3a: {  	[bflag:$0x0] =	sbarrier.arrive $0xFFFF  }
0x3b: {  	p0 =	sne.s32 s0, $0x0;
	_ =	strace $0x9000004A  }
0x3c: {  	s0 =	sadd.s32 @!p0 $0x100000, s1;
	[bflag:$0x2] =	sbarrier.arrive $0xFFFF  }
0x3d: {  	[sflag:s0] =	ssyncadd.tile.s32 @!p0 $0x1;
	_ =	shalt  }
.Lfunc_end2:
_tile_overlayer_lowered:
.L_overlay_start_2:
0x3e: {  	(tag) =	ssettag $0x2  }
0x3f: {  	s0 =	rddreg [dreg:$0x0];
	s2 =	stileid.u32  }
0x40: {  	s1 =	rddreg [dreg:$0x1];
	p0 =	sne.s32 s2, $0x0  }
0x41: {  	s3 =	rddreg [dreg:$0x2];
	[bflag:$0x3] =	sbarrier.arrive $0xFFFF;
	s2 =	simm.s32 @!p0 $0x1C01  }
0x42: {  	[timem:s3], [sflag:s2] =	dma.local @!p0 [hbm:s0], s1  }
0x43: {  	s0 =	simm.s32 @!p0 $0x1  }
0x44: {  	_ =	swait.ge @!p0 [sflag:s0], s1  }
0x45: {  	s1 =	ssub.s32 @!p0 $0x0, s1;
	[sflag:s0] =	ssyncset.done @!p0 $0x0  }
0x46: {  	[sflag:s0] =	ssyncadd.s32 @!p0 s1  }
0x47: {  	[bflag:$0x3] =	sbarrier.arrive $0xFFFF  }
0x48: {  	_ =	shalt  }

// kernel: kernel.14.cloned.1.call-start
scs
__scs_entry_jumppad:
0x0: {  	(pc) =	sbr.rel $0x88, $3  }
0x1: {  	(tag) =	ssettag $0x0;
	lr =	simm.s32 $0x1  }
0x2: {  	[smem:$0x3F9B] =	sst lr;
	_ =	strace $0xD0000000  }
0x3: {  	_ = 	snop  }
0x4: {  	_ = 	snop  }
0x5: {  	_ = 	snop  }
0x6: {  	_ = 	snop  }
0x7: {  	_ = 	snop  }
__scs_overlays_trampoline_lowered:
0x8: {  	[smem:$0x3FAA] =	sst s0  }
0x9: {  	[smem:$0x3FAB] =	sst s1  }
0xa: {  	[smem:$0x3FAC] =	sst s2  }
0xb: {  	[smem:$0x3FAD] =	sst s3  }
0xc: {  	[smem:$0x3FAE] =	sst s4  }
0xd: {  	[smem:$0x3FAF] =	sst s5  }
0xe: {  	[smem:$0x3FB0] =	sst s6  }
0xf: {  	[smem:$0x3FB1] =	sst s7  }
0x10: {  	[smem:$0x3FB2] =	sst s8  }
0x11: {  	[smem:$0x3FB3] =	sst s9;
	s0 =	simm.s32 @!p0 $0x0  }
0x12: {  	s1 =	sld [smem:$0x3F99];
	s0 =	simm.s32 @p0 $0x1  }
0x13: {  	[smem:$0x3FB4] =	sst s0;
	s0 =	simm.s32 @!p1 $0x0  }
0x14: {  	s2 =	sld [smem:$0x3F98];
	s0 =	simm.s32 @p1 $0x1  }
0x15: {  	[smem:$0x3FB5] =	sst s0;
	s0 =	simm.s32 @!p2 $0x0  }
0x16: {  	s3 =	sld [smem:$0x3FDB];
	s0 =	simm.s32 @p2 $0x1  }
0x17: {  	s4 =	simm.s32 $0x1BF5;
	[smem:$0x3FB7] =	sst s0  }
0x18: {  	s0 =	sld [smem:$0x3F9A];
	_ =	swait.ge [sflag:s4], $0x0  }
0x19: {  	s7 =	sld [smem:$0x3F9B]  }
0x1a: {  	s8 =	sadd.s32 $0xFFFFE003, lr  }
0x1b: {  	s9 =	sadd.s32 $0xFFFFFEF7, lr;
	s5 =	simm.s32 $0xFFFFFFFF;
	p2 =	slt.u32 s8, $0xFFFFF086  }
0x1c: {  	p1 =	slt.u32 s9, $0xF7A;
	s5 =	simm.s32 @!p2 $0x0  }
0x1d: {  	s5 =	simm.s32 @p1 $0x1;
	p0 =	seq.s32 s7, s2  }
0x1e: {  	s7 =	smul.u32 @!p0 $0xF7A, s2;
	p2 =	seq.s32 @!p0 s5, $0x0  }
0x1f: {  	s9 =	smul.u32 $0xF7A, s1;
	s8 =	simm.s32 @!p0 $0x1BF5;
	p2 =	por !p2, p0  }
0x20: {  	[sflag:s8] =	ssyncset.s32 @!p0 $0xFFFFF086;
	s6 =	sadd.s32 @!p0 s3, s7;
	s7 =	simm.s32 @!p0 $0x108  }
0x21: {  	s3 =	sadd.s32 s3, s9;
	s6 =	sadd.s32 @!p0 $0x88, s6;
	s7 =	simm.s32 @p2 $0x1082  }
0x22: {  	[simem:s7], [sflag:s8] =	dma.local @!p0 [hbm:s6], $0xF7A  }
0x23: {  	s9 =	sor.u32 $0xD0000000, s2;
	s6 =	simm.s32 $0x108;
	_ =	swait.ge @!p0 [sflag:s8], $0x0  }
0x24: {  	s3 =	sadd.s32 $0x88, s3;
	s6 =	simm.s32 @!p1 $0x1082;
	[sflag:s4] =	ssyncset.s32 $0xFFFFF086  }
0x25: {  	[simem:s6], [sflag:s4] =	dma.local [hbm:s3], $0xF7A  }
0x26: {  	[smem:$0x3F9B] =	sst s1;
	(tag) =	ssettag s2;
	_ =	strace s9  }
0x27: {  	s1 =	sld [smem:$0x3FAB]  }
0x28: {  	s2 =	sld [smem:$0x3FAC]  }
0x29: {  	s4 =	sld [smem:$0x3FAE]  }
0x2a: {  	p0 =	seq.s32 s5, $0x0;
	s5 =	sld [smem:$0x3FAF]  }
0x2b: {  	s6 =	sld [smem:$0x3FB0]  }
0x2c: {  	s7 =	sld [smem:$0x3FB1]  }
0x2d: {  	s3 =	simm.s32 $0x108;
	s8 =	sld [smem:$0x3FB2]  }
0x2e: {  	s3 =	simm.s32 @!p0 $0x1082;
	s9 =	sld [smem:$0x3FB3]  }
0x2f: {  	lr =	sadd.s32 s0, s3;
	s0 =	sld [smem:$0x3FAA]  }
0x30: {  	s3 =	sld [smem:$0x3FAD]  }
0x31: {  	[smem:$0x3FB6] =	sst s10  }
0x32: {  	s10 =	sld [smem:$0x3FB4];
	_ =	sdelay $0x3  }
0x33: {  	p0 =	seq.s32 s10, $0x1;
	s10 =	sld [smem:$0x3FB6];
	_ =	sdelay $0x3  }
0x34: {  	[smem:$0x3FB6] =	sst s10  }
0x35: {  	s10 =	sld [smem:$0x3FB5];
	_ =	sdelay $0x3  }
0x36: {  	p1 =	seq.s32 s10, $0x1;
	s10 =	sld [smem:$0x3FB6];
	_ =	sdelay $0x3  }
0x37: {  	[smem:$0x3FB6] =	sst s10  }
0x38: {  	s10 =	sld [smem:$0x3FB7]  }
0x39: {  	_ = 	snop;
	(pc) =	sbr.ind lr, $3  }
0x3a: {  	_ = 	snop  }
0x3b: {  	_ = 	snop  }
0x3c: {  	p2 =	seq.s32 s10, $0x1;
	s10 =	sld [smem:$0x3FB6]  }
0x3d: {  	_ =	shalt  }
0x3e: {  	_ =	shalt  }
0x3f: {  	_ =	shalt  }
0x40: {  	_ =	shalt  }
0x41: {  	_ =	shalt  }
0x42: {  	_ =	shalt  }
0x43: {  	_ =	shalt  }
0x44: {  	_ =	shalt  }
0x45: {  	_ =	shalt  }
0x46: {  	_ =	shalt  }
0x47: {  	_ =	shalt  }
0x48: {  	_ =	shalt  }
0x49: {  	_ =	shalt  }
0x4a: {  	_ =	shalt  }
0x4b: {  	_ =	shalt  }
0x4c: {  	_ =	shalt  }
0x4d: {  	_ =	shalt  }
0x4e: {  	_ =	shalt  }
0x4f: {  	_ =	shalt  }
0x50: {  	_ =	shalt  }
0x51: {  	_ =	shalt  }
0x52: {  	_ =	shalt  }
0x53: {  	_ =	shalt  }
0x54: {  	_ =	shalt  }
0x55: {  	_ =	shalt  }
0x56: {  	_ =	shalt  }
0x57: {  	_ =	shalt  }
0x58: {  	_ =	shalt  }
0x59: {  	_ =	shalt  }
0x5a: {  	_ =	shalt  }
0x5b: {  	_ =	shalt  }
0x5c: {  	_ =	shalt  }
0x5d: {  	_ =	shalt  }
0x5e: {  	_ =	shalt  }
0x5f: {  	_ =	shalt  }
0x60: {  	_ =	shalt  }
0x61: {  	_ =	shalt  }
0x62: {  	_ =	shalt  }
0x63: {  	_ =	shalt  }
0x64: {  	_ =	shalt  }
0x65: {  	_ =	shalt  }
0x66: {  	_ =	shalt  }
0x67: {  	_ =	shalt  }
0x68: {  	_ =	shalt  }
0x69: {  	_ =	shalt  }
0x6a: {  	_ =	shalt  }
0x6b: {  	_ =	shalt  }
0x6c: {  	_ =	shalt  }
0x6d: {  	_ =	shalt  }
0x6e: {  	_ =	shalt  }
0x6f: {  	_ =	shalt  }
0x70: {  	_ =	shalt  }
0x71: {  	_ =	shalt  }
0x72: {  	_ =	shalt  }
0x73: {  	_ =	shalt  }
0x74: {  	_ =	shalt  }
0x75: {  	_ =	shalt  }
0x76: {  	_ =	shalt  }
0x77: {  	_ =	shalt  }
0x78: {  	_ =	shalt  }
0x79: {  	_ =	shalt  }
0x7a: {  	_ =	shalt  }
0x7b: {  	_ =	shalt  }
0x7c: {  	_ =	shalt  }
0x7d: {  	_ =	shalt  }
0x7e: {  	_ =	shalt  }
0x7f: {  	_ =	shalt  }
0x80: {  	_ =	shalt  }
0x81: {  	_ =	shalt  }
0x82: {  	_ =	shalt  }
0x83: {  	_ =	shalt  }
0x84: {  	_ =	shalt  }
0x85: {  	_ =	shalt  }
0x86: {  	_ =	shalt  }
0x87: {  	_ =	shalt  }
.Lfunc_end0:
.L_simem_size_0:
called_computation.2_lowered:
.L_overlay_start_0:
0x88: {  	s2 =	sld [smem:$0x3FD9]  }
0x89: {  	s3 =	sld [smem:$0x3FFE];
	_ =	sdelay $0x1  }
0x8a: {  	s1 =	srdreg.scid  }
0x8b: {  	s0 =	sand.u32 $0x1, s1  }
0x8c: {  	s17 =	sshll.u32 s0, $0xA;
	s2 =	sadd.s32 s3, s2  }
0x8d: {  	s2 =	sadd.s32 s2, s17  }
0x8e: {  	[smem:$0x3FC2] =	sst s2  }
0x8f: {  	_ = 	snop  }
0x90: {  	s2 =	sld [smem:$0x3FD0];
	(tm) =	ssettm $0x1  }
0x91: {  	s18 =	sld [smem:$0x3FFB];
	_ =	sdelay $0x3  }
0x92: {  	_ =	strace s18  }
0x93: {  	s3 =	sld [smem:$0x3FFC];
	_ =	sdelay $0x3  }
0x94: {  	_ =	strace s3  }
0x95: {  	s3 =	sld [smem:$0x3FFD];
	_ =	sdelay $0x3  }
0x96: {  	_ =	strace s3  }
0x97: {  	_ =	strace $0x8FFFFFFF  }
0x98: {  	s19 =	sld [smem:$0x3FDB];
	_ =	sdelay $0x1  }
0x99: {  	s4 =	simm.s32 $_scs_section_size  }
0x9a: {  	s5 =	simm.s32 $_size__tile_overlayer_lowered;
	s6 =	simm.s32 $_tile_overlayer_lowered  }
0x9b: {  	s22 =	simm.s32 $0x1BFF;
	s21 =	sshll.u32 s6, $0x1;
	s3 =	sadd.s32 s4, s19  }
0x9c: {  	s7 =	simm.s32 $0x0;
	s20 =	sshll.u32 s5, $0x1;
	s5 =	sadd.s32 s21, s3  }
0x9d: {  	[timem:s7], [sflag:s22] =	dma.local [hbm:s5], s20  }
0x9e: {  	_ =	swait.ge [sflag:s22], s20  }
0x9f: {  	s4 =	ssub.s32 $0x0, s20;
	[sflag:s22] =	ssyncset.done $0x0  }
0xa0: {  	[sflag:s22] =	ssyncadd.s32 s4;
	_ =	sdelay $0x1  }
0xa1: {  	s23 =	simm.s32 $0x1B8B  }
0xa2: {  	_ =	swait.ge [sflag:s23], $0x1  }
0xa3: {  	[sflag:s23] =	ssyncset.done $0x0  }
0xa4: {  	s25 =	simm.s32 $0x1B8E;
	s24 =	sld [smem:$0x3FFE];
	[sflag:s23] =	ssyncadd.s32 $0xFFFFFFFF  }
0xa5: {  	s26 =	simm.s32 $execute0_lowered;
	[smem:$0x3FD2] =	sst s25  }
0xa6: {  	s5 =	sshll.u32 s26, $0x1;
	_ =	strace $0x8000004C;
	[dreg:$0x1] =	wrdreg $0xFFFFFFFF  }
0xa7: {  	s28 =	simm.s32 $_size_execute0_lowered;
	s3 =	sadd.s32 s3, s5;
	[dreg:$0x0] =	wrdreg $0x0  }
0xa8: {  	s5 =	sshll.u32 s28, $0x1;
	[dreg:$0x2] =	wrdreg s3  }
0xa9: {  	[dreg:$0x3] =	wrdreg s5  }
0xaa: {  	[dreg:$0x4] =	wrdreg $0xC0  }
0xab: {  	_ =	task [dreg:s7], $0x5FFFF  }
0xac: {  	[dreg:$0x1] =	wrdreg $0xFFFFFFFF  }
0xad: {  	[dreg:$0x0] =	wrdreg $0x60  }
0xae: {  	[dreg:$0x2] =	wrdreg s24  }
0xaf: {  	[dreg:$0x3] =	wrdreg s2  }
0xb0: {  	[dreg:$0x4] =	wrdreg $0x50800  }
0xb1: {  	[dreg:$0x5] =	wrdreg $0x52F80  }
0xb2: {  	[dreg:$0x6] =	wrdreg $0x9  }
0xb3: {  	_ =	task.clear_ibuf [dreg:s7], $0x7FFFF;
	_ =	strace $0x9000004C  }
0xb4: {  	s29 =	simm.s32 $0x9;
	_ =	strace $0x8000004E  }
0xb5: {  	_ =	swait.ge [sflag:s29], $0x1  }
0xb6: {  	[sflag:s29] =	ssyncadd.s32 $0xFFFFFFFF  }
0xb7: {  	_ =	strace $0x9000004E  }
0xb8: {  	_ =	sfence  }
0xb9: {  	s30 =	sld [smem:$0x0];
	_ =	sdelay $0x2  }
0xba: {  	s31 =	sshll.u32 s1, $0xD;
	s1 =	sshrl.u32 s1, $0x2  }
0xbb: {  	s3 =	sand.u32 $0x4000, s31;
	s1 =	sadd.s32 s1, s30  }
0xbc: {  	s0 =	sor.u32 s3, s0;
	s1 =	sshll.u32 s1, $0x11  }
0xbd: {  	s0 =	sor.u32 s1, s0  }
0xbe: {  	s0 =	sadd.s32 $0x8F2B, s0  }
0xbf: {  	[sflag:s0] =	ssyncadd.remote.s32 $0x1  }
0xc0: {  	_ =	sfence.sel $0xFFFF  }
0xc1: {  	[dreg:$0x0] =	wrdreg $0xFFFFFFFF;
	(pc) =	sbr.abs _section_cstart, $3  }
0xc2: {  	[dreg:$0x1] =	wrdreg $0xFFFFFFFF  }
0xc3: {  	_ =	task.clear_ibuf [dreg:s7], $0x2FFFF;
	_ =	strace $0x9FFFFFFF  }
0xc4: {  	(tm) =	ssettm $0x7FFFFFFF  }
0xc5: {  	_ =	shalt  }
tec
execute0_lowered:
.L_overlay_start_1:
0x0: {  	(tag) =	ssettag $0x1  }
0x1: {  	s6 =	rddreg [dreg:$0x0]  }
0x2: {  	s1 =	rddreg [dreg:$0x1]  }
0x3: {  	s2 =	rddreg [dreg:$0x2]  }
0x4: {  	s3 =	rddreg [dreg:$0x3]  }
0x5: {  	s0 =	rddreg [dreg:$0x4];
	s5 =	srdreg.scid  }
0x6: {  	s12 =	stileid.u32;
	s4 =	simm.s32 $0x0;
	s15 =	simm.s32 $0x80  }
0x7: {  	s16 =	simm.s32 $0x5000;
	s17 =	simm.s32 $0x0;
	s5 =	sand.u32 $0x1, s5  }
0x8: {  	s8 =	smul.u32 $0x280, s12;
	[smem:$0x7FF] =	sst s4;
	p0 =	sne.s32 s12, $0x0  }
0x9: {  	s13 =	sshll.u32 s12, $0x6;
	s7 =	sshll.u32 s5, $0x4;
	s9 =	smul.u32 $0x2800, s5  }
0xa: {  	_ =	strace $0x8000004D;
	s10 =	ssub.s32 $0x2, s5;
	s5 =	sadd.s32 $0x15A00, s6  }
0xb: {  	s13 =	sor.u32 $0x1C01, s13;
	s7 =	sor.u32 s12, s7;
	s11 =	sshrl.u32 s10, $0x1  }
0xc: {  	s14 =	sadd.s32 s8, s3;
	s12 =	sshrl.u32 @!p0 s2, $0x3;
	s7 =	smul.u32 $0x500, s7  }
0xd: {  	s9 =	sadd.s32 s8, s9;
	s10 =	ssub.s32 s10, s11;
	s11 =	simm.s32 $0x2800  }
0xe: {  	s14 =	sshrl.u32 s14, $0x3;
	s9 =	sshrl.u32 s9, $0x3;
	s7 =	sadd.s32 s7, s6  }
0xf: {  	s9 =	sadd.s32 s9, s6;
	s6 =	sadd.s32 $0xBA00, s7;
	s7 =	sadd.s32 $0x1A00, s7  }
0x10: {  	s8 =	sadd.s32 $0x16000, s9;
	s9 =	smax.u32 s10, $0x1;
	s10 =	simm.s32 $0x1  }
.LBB2_1:
0x11: {  	[tilespmem:s4], [sflag:$0x1] =	stream.linear.gather [hbm4b:s6+s4], $0x2800, $0x38;
	[tilespmem:$0x5578] =	vst v63  }
0x12: {  	_ =	swait.ge [sflag:s10], $0x2800  }
0x13: {  	[sflag:s10] =	ssyncset.done $0x0  }
0x14: {  	[sflag:s10] =	ssyncadd.s32 $0xFFFFD800  }
0x15: {  	[tilespmem:s11], [sflag:$0x1] =	stream.linear.gather [hbm4b:s7+s4], $0x2800, $0x38;
	[tilespmem:$0x5578] =	vst v63  }
0x16: {  	_ =	swait.ge [sflag:s10], $0x2800  }
0x17: {  	[sflag:s10] =	ssyncset.done $0x0  }
0x18: {  	s18 =	simm.s32 @!p0 $0x1C01;
	[sflag:s10] =	ssyncadd.s32 $0xFFFFD800  }
0x19: {  	[spmem:s12], [sflag:s18] =	dma.local @!p0 [hbm:s5], $0x4F0  }
0x1a: {  	s18 =	simm.s32 @!p0 $0x1  }
0x1b: {  	_ =	swait.ge @!p0 [sflag:s18], $0x4F0  }
0x1c: {  	[sflag:s18] =	ssyncset.done @!p0 $0x0  }
0x1d: {  	[sflag:s18] =	ssyncadd.s32 @!p0 $0xFFFFFB10  }
0x1e: {  	[spmem:s14], [sflag:s13] =	dma.local [hbm:s1], $0x50  }
0x1f: {  	_ =	swait.ge [sflag:s10], $0x50  }
0x20: {  	[sflag:s10] =	ssyncset.done $0x0  }
0x21: {  	[sflag:s10] =	ssyncadd.s32 $0xFFFFFFB0  }
0x22: {  	s30 =	simm.s32 $0x0;
	[bflag:$0x0] =	sbarrier.arrive $0xFFFF  }
0x23: {  	[tilespmem:s16], [sflag:$0x1] =	stream.indirect.gather [spmem:s2], $0x1, s30, s15, $0xb8;
	[tilespmem:$0x5578] =	vst v63  }
0x24: {  	_ =	swait.ge [sflag:s10], $0x80  }
0x25: {  	[sflag:s10] =	ssyncset.done $0x0  }
0x26: {  	s31 =	simm.s32 $0x2800;
	[sflag:s10] =	ssyncadd.s32 $0xFFFFFF80  }
0x27: {  	[spmem:s3] =	stream.indirect.scatter.add.f32 [tilespmem:s16], [sflag:$0x1], $0x1, s31, s15, $0xb8;
	[tilespmem:$0x5578] =	vst v63  }
0x28: {  	_ =	swait.ge [sflag:s10], $0x80  }
0x29: {  	s19 =	simm.s32 $0x400;
	s18 =	simm.s32 $0x200;
	[sflag:s10] =	ssyncset.done $0x0  }
.LBB2_2:
0x2a: {  	s20 =	sshra.s32 s18, $0x2  }
0x2b: {  	[sflag:s10] =	ssyncadd.s32 $0xFFFFFF80;
	s18 =	smov.u32 s19;
	s21 =	sadd.s32 $0x200, s19  }
0x2c: {  	[tilespmem:s16], [sflag:$0x1] =	stream.indirect.gather [spmem:s2], $0x1, s20, s15, $0xb8;
	[tilespmem:$0x5578] =	vst v63  }
0x2d: {  	p1 =	sne.s32 s19, $0x9E00;
	_ =	swait.ge [sflag:s10], $0x80  }
.Ltmp0:
0x2e: {  	[sflag:s10] =	ssyncset.done $0x0;
	(pc) =	sbr.rel @p1 .LBB2_2-.Ltmp0, $4  }
0x2f: {  	s19 =	sadd.s32 $0x2800, s20;
	[sflag:s10] =	ssyncadd.s32 $0xFFFFFF80  }
0x30: {  	[spmem:s3] =	stream.indirect.scatter.add.f32 [tilespmem:s16], [sflag:$0x1], $0x1, s19, s15, $0xb8;
	[tilespmem:$0x5578] =	vst v63  }
0x31: {  	_ =	swait.ge [sflag:s10], $0x80  }
0x32: {  	s19 =	smov.u32 s21;
	[sflag:s10] =	ssyncset.done $0x0  }
0x33: {  	s18 =	sshra.s32 s18, $0x2;
	[sflag:s10] =	ssyncadd.s32 $0xFFFFFF80  }
0x34: {  	[tilespmem:s16], [sflag:$0x1] =	stream.indirect.gather [spmem:s2], $0x1, s18, s15, $0xb8;
	[tilespmem:$0x5578] =	vst v63  }
0x35: {  	_ =	swait.ge [sflag:s10], $0x80  }
0x36: {  	[sflag:s10] =	ssyncset.done $0x0  }
0x37: {  	s18 =	sadd.s32 $0x2800, s18;
	[sflag:s10] =	ssyncadd.s32 $0xFFFFFF80  }
0x38: {  	[spmem:s3] =	stream.indirect.scatter.add.f32 [tilespmem:s16], [sflag:$0x1], $0x1, s18, s15, $0xb8;
	[tilespmem:$0x5578] =	vst v63  }
0x39: {  	_ =	swait.ge [sflag:s10], $0x80  }
0x3a: {  	s17 =	sadd.s32 $0x1, s17;
	[sflag:s10] =	ssyncset.done $0x0  }
0x3b: {  	p1 =	sne.s32 s17, s9;
	[sflag:s10] =	ssyncadd.s32 $0xFFFFFF80  }
.Ltmp1:
0x3c: {  	[bflag:$0x0] =	sbarrier.arrive $0xFFFF;
	(pc) =	sbr.rel @p1 .LBB2_1-.Ltmp1, $4  }
0x3d: {  	[hbm:s8], [sflag:s13] =	dma.local [spmem:s14], $0x50  }
0x3e: {  	_ =	swait.ge [sflag:s10], $0x50  }
0x3f: {  	[sflag:s10] =	ssyncset.done $0x0  }
0x40: {  	[sflag:s10] =	ssyncadd.s32 $0xFFFFFFB0  }
0x41: {  	_ =	sfence.sel $0x180000  }
0x42: {  	[bflag:$0x0] =	sbarrier.arrive $0xFFFF  }
0x43: {  	_ =	strace $0x9000004D  }
0x44: {  	s0 =	sadd.s32 @!p0 $0x100000, s0;
	[bflag:$0x2] =	sbarrier.arrive $0xFFFF  }
0x45: {  	[sflag:s0] =	ssyncadd.tile.s32 @!p0 $0x1;
	_ =	shalt  }
.Lfunc_end2:
_tile_overlayer_lowered:
.L_overlay_start_2:
0x46: {  	(tag) =	ssettag $0x2  }
0x47: {  	s0 =	rddreg [dreg:$0x0];
	s2 =	stileid.u32  }
0x48: {  	s1 =	rddreg [dreg:$0x1];
	p0 =	sne.s32 s2, $0x0  }
0x49: {  	s3 =	rddreg [dreg:$0x2];
	[bflag:$0x3] =	sbarrier.arrive $0xFFFF;
	s2 =	simm.s32 @!p0 $0x1C01  }
0x4a: {  	[timem:s3], [sflag:s2] =	dma.local @!p0 [hbm:s0], s1  }
0x4b: {  	s0 =	simm.s32 @!p0 $0x1  }
0x4c: {  	_ =	swait.ge @!p0 [sflag:s0], s1  }
0x4d: {  	s1 =	ssub.s32 @!p0 $0x0, s1;
	[sflag:s0] =	ssyncset.done @!p0 $0x0  }
0x4e: {  	[sflag:s0] =	ssyncadd.s32 @!p0 s1  }
0x4f: {  	[bflag:$0x3] =	sbarrier.arrive $0xFFFF  }
0x50: {  	_ =	shalt  }

// kernel: kernel.8.cloned.1.call-start
scs
__scs_entry_jumppad:
0x0: {  	(pc) =	sbr.rel $0x88, $3  }
0x1: {  	(tag) =	ssettag $0x0;
	lr =	simm.s32 $0x1  }
0x2: {  	[smem:$0x3F9B] =	sst lr;
	_ =	strace $0xD0000000  }
0x3: {  	_ = 	snop  }
0x4: {  	_ = 	snop  }
0x5: {  	_ = 	snop  }
0x6: {  	_ = 	snop  }
0x7: {  	_ = 	snop  }
__scs_overlays_trampoline_lowered:
0x8: {  	[smem:$0x3FAA] =	sst s0  }
0x9: {  	[smem:$0x3FAB] =	sst s1  }
0xa: {  	[smem:$0x3FAC] =	sst s2  }
0xb: {  	[smem:$0x3FAD] =	sst s3  }
0xc: {  	[smem:$0x3FAE] =	sst s4  }
0xd: {  	[smem:$0x3FAF] =	sst s5  }
0xe: {  	[smem:$0x3FB0] =	sst s6  }
0xf: {  	[smem:$0x3FB1] =	sst s7  }
0x10: {  	[smem:$0x3FB2] =	sst s8  }
0x11: {  	[smem:$0x3FB3] =	sst s9;
	s0 =	simm.s32 @!p0 $0x0  }
0x12: {  	s1 =	sld [smem:$0x3F99];
	s0 =	simm.s32 @p0 $0x1  }
0x13: {  	[smem:$0x3FB4] =	sst s0;
	s0 =	simm.s32 @!p1 $0x0  }
0x14: {  	s2 =	sld [smem:$0x3F98];
	s0 =	simm.s32 @p1 $0x1  }
0x15: {  	[smem:$0x3FB5] =	sst s0;
	s0 =	simm.s32 @!p2 $0x0  }
0x16: {  	s3 =	sld [smem:$0x3FDB];
	s0 =	simm.s32 @p2 $0x1  }
0x17: {  	s4 =	simm.s32 $0x1BF5;
	[smem:$0x3FB7] =	sst s0  }
0x18: {  	s0 =	sld [smem:$0x3F9A];
	_ =	swait.ge [sflag:s4], $0x0  }
0x19: {  	s7 =	sld [smem:$0x3F9B]  }
0x1a: {  	s8 =	sadd.s32 $0xFFFFE003, lr  }
0x1b: {  	s9 =	sadd.s32 $0xFFFFFEF7, lr;
	s5 =	simm.s32 $0xFFFFFFFF;
	p2 =	slt.u32 s8, $0xFFFFF086  }
0x1c: {  	p1 =	slt.u32 s9, $0xF7A;
	s5 =	simm.s32 @!p2 $0x0  }
0x1d: {  	s5 =	simm.s32 @p1 $0x1;
	p0 =	seq.s32 s7, s2  }
0x1e: {  	s7 =	smul.u32 @!p0 $0xF7A, s2;
	p2 =	seq.s32 @!p0 s5, $0x0  }
0x1f: {  	s9 =	smul.u32 $0xF7A, s1;
	s8 =	simm.s32 @!p0 $0x1BF5;
	p2 =	por !p2, p0  }
0x20: {  	[sflag:s8] =	ssyncset.s32 @!p0 $0xFFFFF086;
	s6 =	sadd.s32 @!p0 s3, s7;
	s7 =	simm.s32 @!p0 $0x108  }
0x21: {  	s3 =	sadd.s32 s3, s9;
	s6 =	sadd.s32 @!p0 $0x88, s6;
	s7 =	simm.s32 @p2 $0x1082  }
0x22: {  	[simem:s7], [sflag:s8] =	dma.local @!p0 [hbm:s6], $0xF7A  }
0x23: {  	s9 =	sor.u32 $0xD0000000, s2;
	s6 =	simm.s32 $0x108;
	_ =	swait.ge @!p0 [sflag:s8], $0x0  }
0x24: {  	s3 =	sadd.s32 $0x88, s3;
	s6 =	simm.s32 @!p1 $0x1082;
	[sflag:s4] =	ssyncset.s32 $0xFFFFF086  }
0x25: {  	[simem:s6], [sflag:s4] =	dma.local [hbm:s3], $0xF7A  }
0x26: {  	[smem:$0x3F9B] =	sst s1;
	(tag) =	ssettag s2;
	_ =	strace s9  }
0x27: {  	s1 =	sld [smem:$0x3FAB]  }
0x28: {  	s2 =	sld [smem:$0x3FAC]  }
0x29: {  	s4 =	sld [smem:$0x3FAE]  }
0x2a: {  	p0 =	seq.s32 s5, $0x0;
	s5 =	sld [smem:$0x3FAF]  }
0x2b: {  	s6 =	sld [smem:$0x3FB0]  }
0x2c: {  	s7 =	sld [smem:$0x3FB1]  }
0x2d: {  	s3 =	simm.s32 $0x108;
	s8 =	sld [smem:$0x3FB2]  }
0x2e: {  	s3 =	simm.s32 @!p0 $0x1082;
	s9 =	sld [smem:$0x3FB3]  }
0x2f: {  	lr =	sadd.s32 s0, s3;
	s0 =	sld [smem:$0x3FAA]  }
0x30: {  	s3 =	sld [smem:$0x3FAD]  }
0x31: {  	[smem:$0x3FB6] =	sst s10  }
0x32: {  	s10 =	sld [smem:$0x3FB4];
	_ =	sdelay $0x3  }
0x33: {  	p0 =	seq.s32 s10, $0x1;
	s10 =	sld [smem:$0x3FB6];
	_ =	sdelay $0x3  }
0x34: {  	[smem:$0x3FB6] =	sst s10  }
0x35: {  	s10 =	sld [smem:$0x3FB5];
	_ =	sdelay $0x3  }
0x36: {  	p1 =	seq.s32 s10, $0x1;
	s10 =	sld [smem:$0x3FB6];
	_ =	sdelay $0x3  }
0x37: {  	[smem:$0x3FB6] =	sst s10  }
0x38: {  	s10 =	sld [smem:$0x3FB7]  }
0x39: {  	_ = 	snop;
	(pc) =	sbr.ind lr, $3  }
0x3a: {  	_ = 	snop  }
0x3b: {  	_ = 	snop  }
0x3c: {  	p2 =	seq.s32 s10, $0x1;
	s10 =	sld [smem:$0x3FB6]  }
0x3d: {  	_ =	shalt  }
0x3e: {  	_ =	shalt  }
0x3f: {  	_ =	shalt  }
0x40: {  	_ =	shalt  }
0x41: {  	_ =	shalt  }
0x42: {  	_ =	shalt  }
0x43: {  	_ =	shalt  }
0x44: {  	_ =	shalt  }
0x45: {  	_ =	shalt  }
0x46: {  	_ =	shalt  }
0x47: {  	_ =	shalt  }
0x48: {  	_ =	shalt  }
0x49: {  	_ =	shalt  }
0x4a: {  	_ =	shalt  }
0x4b: {  	_ =	shalt  }
0x4c: {  	_ =	shalt  }
0x4d: {  	_ =	shalt  }
0x4e: {  	_ =	shalt  }
0x4f: {  	_ =	shalt  }
0x50: {  	_ =	shalt  }
0x51: {  	_ =	shalt  }
0x52: {  	_ =	shalt  }
0x53: {  	_ =	shalt  }
0x54: {  	_ =	shalt  }
0x55: {  	_ =	shalt  }
0x56: {  	_ =	shalt  }
0x57: {  	_ =	shalt  }
0x58: {  	_ =	shalt  }
0x59: {  	_ =	shalt  }
0x5a: {  	_ =	shalt  }
0x5b: {  	_ =	shalt  }
0x5c: {  	_ =	shalt  }
0x5d: {  	_ =	shalt  }
0x5e: {  	_ =	shalt  }
0x5f: {  	_ =	shalt  }
0x60: {  	_ =	shalt  }
0x61: {  	_ =	shalt  }
0x62: {  	_ =	shalt  }
0x63: {  	_ =	shalt  }
0x64: {  	_ =	shalt  }
0x65: {  	_ =	shalt  }
0x66: {  	_ =	shalt  }
0x67: {  	_ =	shalt  }
0x68: {  	_ =	shalt  }
0x69: {  	_ =	shalt  }
0x6a: {  	_ =	shalt  }
0x6b: {  	_ =	shalt  }
0x6c: {  	_ =	shalt  }
0x6d: {  	_ =	shalt  }
0x6e: {  	_ =	shalt  }
0x6f: {  	_ =	shalt  }
0x70: {  	_ =	shalt  }
0x71: {  	_ =	shalt  }
0x72: {  	_ =	shalt  }
0x73: {  	_ =	shalt  }
0x74: {  	_ =	shalt  }
0x75: {  	_ =	shalt  }
0x76: {  	_ =	shalt  }
0x77: {  	_ =	shalt  }
0x78: {  	_ =	shalt  }
0x79: {  	_ =	shalt  }
0x7a: {  	_ =	shalt  }
0x7b: {  	_ =	shalt  }
0x7c: {  	_ =	shalt  }
0x7d: {  	_ =	shalt  }
0x7e: {  	_ =	shalt  }
0x7f: {  	_ =	shalt  }
0x80: {  	_ =	shalt  }
0x81: {  	_ =	shalt  }
0x82: {  	_ =	shalt  }
0x83: {  	_ =	shalt  }
0x84: {  	_ =	shalt  }
0x85: {  	_ =	shalt  }
0x86: {  	_ =	shalt  }
0x87: {  	_ =	shalt  }
.Lfunc_end0:
.L_simem_size_0:
called_computation_lowered:
.L_overlay_start_0:
0x88: {  	s2 =	sld [smem:$0x3FD9]  }
0x89: {  	s3 =	sld [smem:$0x3FFE];
	_ =	sdelay $0x1  }
0x8a: {  	s1 =	srdreg.scid  }
0x8b: {  	s0 =	sand.u32 $0x1, s1  }
0x8c: {  	s17 =	sshll.u32 s0, $0xA;
	s2 =	sadd.s32 s3, s2  }
0x8d: {  	s2 =	sadd.s32 s2, s17  }
0x8e: {  	[smem:$0x3FC2] =	sst s2  }
0x8f: {  	_ = 	snop  }
0x90: {  	s2 =	sld [smem:$0x3FD0];
	(tm) =	ssettm $0x1  }
0x91: {  	s18 =	sld [smem:$0x3FFB];
	_ =	sdelay $0x3  }
0x92: {  	_ =	strace s18  }
0x93: {  	s3 =	sld [smem:$0x3FFC];
	_ =	sdelay $0x3  }
0x94: {  	_ =	strace s3  }
0x95: {  	s3 =	sld [smem:$0x3FFD];
	_ =	sdelay $0x3  }
0x96: {  	_ =	strace s3  }
0x97: {  	_ =	strace $0x8FFFFFFF  }
0x98: {  	s19 =	sld [smem:$0x3FDB];
	_ =	sdelay $0x1  }
0x99: {  	s4 =	simm.s32 $_scs_section_size  }
0x9a: {  	s5 =	simm.s32 $_size__tile_overlayer_lowered;
	s6 =	simm.s32 $_tile_overlayer_lowered  }
0x9b: {  	s22 =	simm.s32 $0x1BFF;
	s21 =	sshll.u32 s6, $0x1;
	s3 =	sadd.s32 s4, s19  }
0x9c: {  	s7 =	simm.s32 $0x0;
	s20 =	sshll.u32 s5, $0x1;
	s5 =	sadd.s32 s21, s3  }
0x9d: {  	[timem:s7], [sflag:s22] =	dma.local [hbm:s5], s20  }
0x9e: {  	_ =	swait.ge [sflag:s22], s20  }
0x9f: {  	s4 =	ssub.s32 $0x0, s20;
	[sflag:s22] =	ssyncset.done $0x0  }
0xa0: {  	[sflag:s22] =	ssyncadd.s32 s4;
	_ =	sdelay $0x1  }
0xa1: {  	s23 =	simm.s32 $0x1B8B  }
0xa2: {  	_ =	swait.ge [sflag:s23], $0x1  }
0xa3: {  	[sflag:s23] =	ssyncset.done $0x0  }
0xa4: {  	s25 =	simm.s32 $0x1B8E;
	s24 =	sld [smem:$0x3FFE];
	[sflag:s23] =	ssyncadd.s32 $0xFFFFFFFF  }
0xa5: {  	s26 =	simm.s32 $execute0_lowered;
	[smem:$0x3FD2] =	sst s25  }
0xa6: {  	s5 =	sshll.u32 s26, $0x1;
	_ =	strace $0x80000046;
	[dreg:$0x1] =	wrdreg $0xFFFFFFFF  }
0xa7: {  	s28 =	simm.s32 $_size_execute0_lowered;
	s3 =	sadd.s32 s3, s5;
	[dreg:$0x0] =	wrdreg $0x0  }
0xa8: {  	s5 =	sshll.u32 s28, $0x1;
	[dreg:$0x2] =	wrdreg s3  }
0xa9: {  	[dreg:$0x3] =	wrdreg s5  }
0xaa: {  	[dreg:$0x4] =	wrdreg $0xC0  }
0xab: {  	_ =	task [dreg:s7], $0x5FFFF  }
0xac: {  	[dreg:$0x1] =	wrdreg $0xFFFFFFFF  }
0xad: {  	[dreg:$0x0] =	wrdreg $0x60  }
0xae: {  	[dreg:$0x2] =	wrdreg s24  }
0xaf: {  	[dreg:$0x3] =	wrdreg s2  }
0xb0: {  	[dreg:$0x4] =	wrdreg $0x28800  }
0xb1: {  	[dreg:$0x5] =	wrdreg $0x9  }
0xb2: {  	_ =	task.clear_ibuf [dreg:s7], $0x6FFFF;
	_ =	strace $0x90000046  }
0xb3: {  	s29 =	simm.s32 $0x9;
	_ =	strace $0x80000048  }
0xb4: {  	_ =	swait.ge [sflag:s29], $0x1  }
0xb5: {  	[sflag:s29] =	ssyncadd.s32 $0xFFFFFFFF  }
0xb6: {  	_ =	strace $0x90000048  }
0xb7: {  	_ =	sfence  }
0xb8: {  	s30 =	sld [smem:$0x0];
	_ =	sdelay $0x2  }
0xb9: {  	s31 =	sshll.u32 s1, $0xD;
	s1 =	sshrl.u32 s1, $0x2  }
0xba: {  	s3 =	sand.u32 $0x4000, s31;
	s1 =	sadd.s32 s1, s30  }
0xbb: {  	s0 =	sor.u32 s3, s0;
	s1 =	sshll.u32 s1, $0x11  }
0xbc: {  	s0 =	sor.u32 s1, s0  }
0xbd: {  	s0 =	sadd.s32 $0x8F2B, s0  }
0xbe: {  	[sflag:s0] =	ssyncadd.remote.s32 $0x1  }
0xbf: {  	_ =	sfence.sel $0xFFFF  }
0xc0: {  	[dreg:$0x0] =	wrdreg $0xFFFFFFFF;
	(pc) =	sbr.abs _section_cstart, $3  }
0xc1: {  	[dreg:$0x1] =	wrdreg $0xFFFFFFFF  }
0xc2: {  	_ =	task.clear_ibuf [dreg:s7], $0x2FFFF;
	_ =	strace $0x9FFFFFFF  }
0xc3: {  	(tm) =	ssettm $0x7FFFFFFF  }
tec
execute0_lowered:
.L_overlay_start_1:
0x0: {  	(tag) =	ssettag $0x1  }
0x1: {  	s6 =	rddreg [dreg:$0x0]  }
0x2: {  	s2 =	rddreg [dreg:$0x1]  }
0x3: {  	s0 =	srdreg.scid;
	s3 =	rddreg [dreg:$0x2]  }
0x4: {  	s1 =	stileid.u32;
	s4 =	simm.s32 $0x0;
	s13 =	simm.s32 $0x80  }
0x5: {  	s14 =	simm.s32 $0x0;
	s5 =	sand.u32 $0x1, s0;
	s0 =	rddreg [dreg:$0x3]  }
0x6: {  	s8 =	smul.u32 $0x280, s1;
	[smem:$0x7FF] =	sst s4;
	s11 =	sshll.u32 s1, $0x6  }
0x7: {  	s7 =	sshll.u32 s5, $0x4;
	s9 =	smul.u32 $0x2800, s5;
	_ =	strace $0x80000047  }
0x8: {  	s10 =	ssub.s32 $0x2, s5;
	s5 =	sadd.s32 $0x15A00, s6;
	s11 =	sor.u32 $0x1C01, s11  }
0x9: {  	s7 =	sor.u32 s1, s7;
	s31 =	sshrl.u32 s10, $0x1;
	s12 =	sadd.s32 s8, s3  }
0xa: {  	s7 =	smul.u32 $0x500, s7;
	s9 =	sadd.s32 s8, s9;
	s10 =	ssub.s32 s10, s31  }
0xb: {  	s12 =	sshrl.u32 s12, $0x3;
	s9 =	sshrl.u32 s9, $0x3;
	s8 =	smax.u32 s10, $0x1  }
0xc: {  	s10 =	simm.s32 $0x2800;
	s7 =	sadd.s32 s7, s6;
	s9 =	sadd.s32 s9, s6  }
0xd: {  	s6 =	sadd.s32 $0x1A00, s7;
	s7 =	sadd.s32 $0x15C00, s9;
	s9 =	simm.s32 $0x1  }
.LBB2_1:
0xe: {  	[tilespmem:s4], [sflag:$0x1] =	stream.linear.gather [hbm4b:s6+s4], $0x2800, $0x38;
	[tilespmem:$0x2B00] =	vst v63  }
0xf: {  	_ =	swait.ge [sflag:s9], $0x2800  }
0x10: {  	[sflag:s9] =	ssyncset.done $0x0  }
0x11: {  	[sflag:s9] =	ssyncadd.s32 $0xFFFFD800  }
0x12: {  	[tilespmem:s10], [sflag:$0x1] =	stream.linear.gather [hbm4b:s5+s4], $0x80, $0x38;
	[tilespmem:$0x2B00] =	vst v63  }
0x13: {  	_ =	swait.ge [sflag:s9], $0x80  }
0x14: {  	[sflag:s9] =	ssyncset.done $0x0  }
0x15: {  	[sflag:s9] =	ssyncadd.s32 $0xFFFFFF80  }
0x16: {  	[spmem:s12], [sflag:s11] =	dma.local [hbm:s2], $0x50  }
0x17: {  	_ =	swait.ge [sflag:s9], $0x50  }
0x18: {  	[sflag:s9] =	ssyncset.done $0x0  }
0x19: {  	[sflag:s9] =	ssyncadd.s32 $0xFFFFFFB0  }
0x1a: {  	s15 =	simm.s32 $0x0;
	[bflag:$0x0] =	sbarrier.arrive $0xFFFF  }
0x1b: {  	[spmem:s3] =	stream.indirect.scatter.add.f32 [tilespmem:s10], [sflag:$0x1], $0x1, s15, s13, $0xb8;
	[tilespmem:$0x2B00] =	vst v63  }
0x1c: {  	_ =	swait.ge [sflag:s9], $0x80  }
0x1d: {  	s15 =	simm.s32 $0x200;
	[sflag:s9] =	ssyncset.done $0x0  }
.LBB2_2:
0x1e: {  	s16 =	sshra.s32 s15, $0x2;
	[sflag:s9] =	ssyncadd.s32 $0xFFFFFF80;
	p0 =	sne.s32 s15, $0x9E00  }
0x1f: {  	[spmem:s3] =	stream.indirect.scatter.add.f32 [tilespmem:s10], [sflag:$0x1], $0x1, s16, s13, $0xb8;
	[tilespmem:$0x2B00] =	vst v63  }
.Ltmp0:
0x20: {  	_ = 	snop;
	(pc) =	sbr.rel @p0 .LBB2_2-.Ltmp0, $4  }
0x21: {  	_ = 	snop  }
0x22: {  	s15 =	sadd.s32 $0x200, s15  }
0x23: {  	_ =	swait.ge [sflag:s9], $0x80  }
0x24: {  	[sflag:s9] =	ssyncset.done $0x0  }
0x25: {  	s14 =	sadd.s32 $0x1, s14  }
0x26: {  	[sflag:s9] =	ssyncadd.s32 $0xFFFFFF80;
	p0 =	sne.s32 s14, s8  }
.Ltmp1:
0x27: {  	[bflag:$0x0] =	sbarrier.arrive $0xFFFF;
	(pc) =	sbr.rel @p0 .LBB2_1-.Ltmp1, $4  }
0x28: {  	[hbm:s7], [sflag:s11] =	dma.local [spmem:s12], $0x50  }
0x29: {  	_ =	swait.ge [sflag:s9], $0x50  }
0x2a: {  	[sflag:s9] =	ssyncset.done $0x0  }
0x2b: {  	[sflag:s9] =	ssyncadd.s32 $0xFFFFFFB0  }
0x2c: {  	_ =	sfence.sel $0x180000  }
0x2d: {  	[bflag:$0x0] =	sbarrier.arrive $0xFFFF  }
0x2e: {  	p0 =	sne.s32 s1, $0x0;
	_ =	strace $0x90000047  }
0x2f: {  	s0 =	sadd.s32 @!p0 $0x100000, s0;
	[bflag:$0x2] =	sbarrier.arrive $0xFFFF  }
0x30: {  	[sflag:s0] =	ssyncadd.tile.s32 @!p0 $0x1;
	_ =	shalt  }
.Lfunc_end2:
_tile_overlayer_lowered:
.L_overlay_start_2:
0x31: {  	(tag) =	ssettag $0x2  }
0x32: {  	s0 =	rddreg [dreg:$0x0];
	s2 =	stileid.u32  }
0x33: {  	s1 =	rddreg [dreg:$0x1];
	p0 =	sne.s32 s2, $0x0  }
0x34: {  	s3 =	rddreg [dreg:$0x2];
	[bflag:$0x3] =	sbarrier.arrive $0xFFFF;
	s2 =	simm.s32 @!p0 $0x1C01  }
0x35: {  	[timem:s3], [sflag:s2] =	dma.local @!p0 [hbm:s0], s1  }
0x36: {  	s0 =	simm.s32 @!p0 $0x1  }
0x37: {  	_ =	swait.ge @!p0 [sflag:s0], s1  }
0x38: {  	s1 =	ssub.s32 @!p0 $0x0, s1;
	[sflag:s0] =	ssyncset.done @!p0 $0x0  }
0x39: {  	[sflag:s0] =	ssyncadd.s32 @!p0 s1  }
0x3a: {  	[bflag:$0x3] =	sbarrier.arrive $0xFFFF  }
0x3b: {  	_ =	shalt  }

</sc_bundles>
